<compile_context>
chip_gen: v7x
topology: tpu7x:2x2x1
jax: 0.10.2.dev20260603
libtpu: 0.0.44.dev20260713+nightly
codegen_flags: <defaults>
</compile_context>

<pallas_src>
import functools

import jax
import jax.numpy as jnp
from jax import lax
from jax.experimental import pallas as pl
from jax.experimental.pallas import tpu as pltpu
from jax.experimental.pallas import tpu_sc as plsc

MIN_S = 0.05
MAX_S = 0.3
B = 8192
D = 4096
H = D // 4
BR = 128
NBLK = B // BR
MAX_FINITE_BITS = 0x7F7FFFFF

NC = 2
NS = 16
NW = NC * NS
RPW = B // NW
L = 16
SL = D // L
CU = 8


def _mlp_kernel(x_ref, w1_ref, b1_ref, w2_ref, b2_ref, sp_ref, k_ref):
    x = x_ref[...]
    h = jnp.maximum(
        lax.dot_general(x.astype(jnp.bfloat16), w1_ref[...],
                        (((1,), (0,)), ((), ())),
                        preferred_element_type=jnp.float32)
        + b1_ref[...], 0.0)
    hb = h.astype(jnp.bfloat16).astype(jnp.float32)
    z = jnp.sum(hb * w2_ref[...].astype(jnp.float32), axis=1,
                keepdims=True) + b2_ref[...]
    s = jax.nn.sigmoid(z)
    sparsity = MIN_S + (MAX_S - MIN_S) * s
    sp_ref[...] = sparsity
    kf = jnp.round(D * (1.0 - sparsity))
    k_ref[...] = jnp.maximum(1, kf.astype(jnp.int32))


def _sc_kernel(x_hbm, k_hbm, sp_hbm, m_hbm, asp_hbm, l1_hbm,
               k_v, row0_v, row1_v, bits_v, spb0_v, spb1_v, mb0_v, mb1_v,
               asp_v, l1b_v, rs0, rs1, os0, os1):
    c = lax.axis_index("c")
    s = lax.axis_index("s")
    wid = s * NC + c
    base = wid * RPW
    pltpu.sync_copy(k_hbm.at[pl.ds(base, RPW)], k_v.at[pl.ds(0, RPW)])

    def fetch(g, rv, rs):
        pltpu.make_async_copy(x_hbm.at[base + g], rv, rs).start()

    def process(g, rv, spp, mbp, rs, os, carry):
        l1vec, aspvec = carry
        row = base + g
        pltpu.make_async_copy(x_hbm.at[row], rv, rs).wait()

        kk = k_v[pl.ds(g, L)][0]
        lane = lax.iota(jnp.int32, L)

        def bs_body(_, lohi):
            lo, hi = lohi
            mid = lo + ((hi - lo) >> 1)

            def cnt_body(j, acc):
                for u in range(CU):
                    off = (j * CU + u) * L
                    bv = (lax.bitcast_convert_type(rv[pl.ds(off, L)],
                                                   jnp.int32)
                          & jnp.int32(0x7FFFFFFF))
                    acc = acc + plsc.all_reduce_population_count(bv <= mid)
                return acc
            acc = lax.fori_loop(0, SL // CU, cnt_body,
                                jnp.zeros((L,), jnp.int32), unroll=False)
            pred = acc[0] >= kk
            return (jnp.where(pred, lo, mid + 1), jnp.where(pred, mid, hi))

        thr, _ = lax.fori_loop(0, 31, bs_body,
                               (jnp.int32(0), jnp.int32(MAX_FINITE_BITS)))

        @pl.when(g >= 2)
        def _():
            pltpu.make_async_copy(spp, sp_hbm.at[row - 2], os).wait()
            pltpu.make_async_copy(mbp, m_hbm.at[row - 2], os).wait()

        def mask_body(j, carry):
            cntv, l1a = carry
            for u in range(CU):
                off = (j * CU + u) * L
                xv = rv[pl.ds(off, L)]
                bv = (lax.bitcast_convert_type(xv, jnp.int32)
                      & jnp.int32(0x7FFFFFFF))
                m = bv > thr
                mf = jnp.where(m, jnp.float32(1.0), jnp.float32(0.0))
                mbp[pl.ds(off, L)] = mf
                spp[pl.ds(off, L)] = jnp.where(m, xv, jnp.float32(0.0))
                cntv = cntv + plsc.all_reduce_population_count(m)
                l1a = l1a + jnp.where(
                    m, lax.bitcast_convert_type(bv, jnp.float32),
                    jnp.float32(0.0))
            return (cntv, l1a)
        cntv, l1a = lax.fori_loop(
            0, SL // CU, mask_body,
            (jnp.zeros((L,), jnp.int32), jnp.zeros((L,), jnp.float32)),
            unroll=False)

        pltpu.make_async_copy(spp, sp_hbm.at[row], os).start()
        pltpu.make_async_copy(mbp, m_hbm.at[row], os).start()

        aspsplat = cntv.astype(jnp.float32) * (1.0 / D)
        lane = lax.iota(jnp.int32, L)
        aspvec = aspvec + jnp.where(lane == (g % L), aspsplat,
                                    jnp.float32(0.0))
        flush = (g % L) == (L - 1)

        @pl.when(flush)
        def _():
            asp_v[pl.ds(g - (L - 1), L)] = aspvec

        aspvec = jnp.where(flush, jnp.zeros((L,), jnp.float32), aspvec)
        return (l1vec + l1a, aspvec)

    fetch(0, row0_v, rs0)

    def pair_body(i, carry):
        g0 = 2 * i

        @pl.when(g0 + 1 < RPW)
        def _():
            fetch(g0 + 1, row1_v, rs1)
        carry = process(g0, row0_v, spb0_v, mb0_v, rs0, os0, carry)

        @pl.when(g0 + 2 < RPW)
        def _():
            fetch(g0 + 2, row0_v, rs0)
        carry = process(g0 + 1, row1_v, spb1_v, mb1_v, rs1, os1, carry)
        return carry

    l1vec, _ = lax.fori_loop(0, RPW // 2, pair_body,
                             (jnp.zeros((L,), jnp.float32),
                              jnp.zeros((L,), jnp.float32)), unroll=False)
    pltpu.make_async_copy(spb0_v, sp_hbm.at[base + RPW - 2], os0).wait()
    pltpu.make_async_copy(mb0_v, m_hbm.at[base + RPW - 2], os0).wait()
    pltpu.make_async_copy(spb1_v, sp_hbm.at[base + RPW - 1], os1).wait()
    pltpu.make_async_copy(mb1_v, m_hbm.at[base + RPW - 1], os1).wait()
    l1b_v[...] = l1vec
    pltpu.sync_copy(l1b_v, l1_hbm.at[pl.ds(wid * L, L)])
    pltpu.sync_copy(asp_v, asp_hbm.at[pl.ds(base, RPW)])


@functools.partial(
    pl.kernel,
    out_type=(
        jax.ShapeDtypeStruct((B, D), jnp.float32),
        jax.ShapeDtypeStruct((B, D), jnp.float32),
        jax.ShapeDtypeStruct((B,), jnp.float32),
        jax.ShapeDtypeStruct((NW * L,), jnp.float32),
    ),
    mesh=plsc.VectorSubcoreMesh(core_axis_name="c", subcore_axis_name="s"),
    compiler_params=pltpu.CompilerParams(needs_layout_passes=False),
    scratch_types=[
        pltpu.VMEM((RPW + L,), jnp.int32),
        pltpu.VMEM((D,), jnp.float32),
        pltpu.VMEM((D,), jnp.float32),
        pltpu.VMEM((D,), jnp.int32),
        pltpu.VMEM((D,), jnp.float32),
        pltpu.VMEM((D,), jnp.float32),
        pltpu.VMEM((D,), jnp.float32),
        pltpu.VMEM((D,), jnp.float32),
        pltpu.VMEM((RPW,), jnp.float32),
        pltpu.VMEM((L,), jnp.float32),
        pltpu.SemaphoreType.DMA,
        pltpu.SemaphoreType.DMA,
        pltpu.SemaphoreType.DMA,
        pltpu.SemaphoreType.DMA,
    ],
)
def _sc_call(x_in, k_in, sp_out, m_out, asp_out, l1_out,
             k_v, row0_v, row1_v, bits_v, spb0_v, spb1_v, mb0_v, mb1_v,
             asp_v, l1b_v, rs0, rs1, os0, os1):
    _sc_kernel(x_in, k_in, sp_out, m_out, asp_out, l1_out,
               k_v, row0_v, row1_v, bits_v, spb0_v, spb1_v, mb0_v, mb1_v,
               asp_v, l1b_v, rs0, rs1, os0, os1)


@jax.jit
def kernel(x, W1, b1, W2, b2):
    b1r = b1.reshape(1, H)
    w2r = W2.reshape(1, H).astype(jnp.bfloat16)
    b2r = b2.reshape(1, 1)
    W1b = W1.astype(jnp.bfloat16)
    row_spec = pl.BlockSpec((BR, 1), lambda i: (i, 0))
    full = lambda shape: pl.BlockSpec(shape, lambda i: (0,) * len(shape))
    sparsity, kk = pl.pallas_call(
        _mlp_kernel,
        grid=(NBLK,),
        in_specs=[pl.BlockSpec((BR, D), lambda i: (i, 0)), full((D, H)),
                  full((1, H)), full((1, H)), full((1, 1))],
        out_specs=(row_spec, row_spec),
        out_shape=(jax.ShapeDtypeStruct((B, 1), jnp.float32),
                   jax.ShapeDtypeStruct((B, 1), jnp.int32)),
    )(x, W1b, b1r, w2r, b2r)
    sparse_x, mask, asp, l1p = _sc_call(x, kk.reshape(B))
    return sparse_x, mask, sparsity, asp, jnp.sum(l1p) * (1.0 / B)

# --- scband reference (transcript-rebuilt; emitter-appended) ---
"""Pipeline reference for scband-sparse-14001593385713 (READ-ONLY COPY).

The authoritative reference and input builder live on the scoring server;
editing this copy changes nothing except your own understanding.
"""

import jax, jax.numpy as jnp
import numpy as np

MIN_S = 0.05
MAX_S = 0.3
B = 8192
D = 4096
H = D // 4

def setup_inputs(seed: int = 0) -> dict:
    key = jax.random.key(seed)
    k1, k2, k3 = jax.random.split(key, 3)
    x = jax.random.normal(k1, (B, D), dtype=jnp.float32)
    # sparsity_predictor: Linear(D, D//4) -> ReLU -> Linear(D//4, 1) -> Sigmoid
    W1 = jax.random.normal(k2, (D, H), dtype=jnp.float32) * (1.0 / np.sqrt(D))
    b1 = jnp.zeros((H,), dtype=jnp.float32)
    W2 = jax.random.normal(k3, (H, 1), dtype=jnp.float32) * (1.0 / np.sqrt(H))
    b2 = jnp.zeros((1,), dtype=jnp.float32)
    return {"x": x, "W1": W1, "b1": b1, "W2": W2, "b2": b2}

def reference(x, W1, b1, W2, b2):
    # get_sparsity: learned sparsity via MLP
    h = jax.nn.relu(x @ W1 + b1)
    s = jax.nn.sigmoid(h @ W2 + b2)              # [B, 1]
    sparsity = MIN_S + (MAX_S - MIN_S) * s       # [B, 1]
    # get_threshold: per-row kthvalue of |x| with k = max(1, round(D*(1-sparsity)))
    abs_x = jnp.abs(x)
    d = x.shape[1]
    k = jnp.maximum(1, jnp.round(d * (1.0 - sparsity[:, 0])).astype(jnp.int32))  # [B]
    sorted_abs = jnp.sort(abs_x, axis=1)         # ascending, kthvalue = k-th smallest
    threshold = jnp.take_along_axis(sorted_abs, (k - 1)[:, None], axis=1)        # [B, 1]
    mask = (abs_x > threshold).astype(jnp.float32)
    sparse_x = x * mask
    actual_sparsity = mask.sum(axis=1) / mask.shape[1]
    l1_reg = jnp.abs(sparse_x).sum(axis=1).mean()
    return sparse_x, mask, sparsity, actual_sparsity, l1_reg

if False:  # reference __main__ guard neutralized (emitter)
    out = reference(**setup_inputs())
    for o in out:
        print(jnp.asarray(o).shape)

if __name__ == "__main__":
    import jax
    _d = setup_inputs()
    print(jax.jit(kernel)(*tuple(_d.values())))

</pallas_src>

<mosaic_0001>
#map = affine_map<(d0, d1) -> (0, 0)>
#map1 = affine_map<(d0, d1) -> (0)>
module attributes {stable_mosaic.version = 14 : i64} {
  func.func @_sc_call(%arg0: i32, %arg1: i32, %arg2: memref<8192x4096xf32, #tpu.memory_space<hbm>>, %arg3: memref<8192xi32, #tpu.memory_space<hbm>>, %arg4: memref<8192x4096xf32, #tpu.memory_space<hbm>>, %arg5: memref<8192x4096xf32, #tpu.memory_space<hbm>>, %arg6: memref<8192xf32, #tpu.memory_space<hbm>>, %arg7: memref<512xf32, #tpu.memory_space<hbm>>, %arg8: memref<272xi32, #tpu.memory_space<vmem>>, %arg9: memref<4096xf32, #tpu.memory_space<vmem>>, %arg10: memref<4096xf32, #tpu.memory_space<vmem>>, %arg11: memref<4096xi32, #tpu.memory_space<vmem>>, %arg12: memref<4096xf32, #tpu.memory_space<vmem>>, %arg13: memref<4096xf32, #tpu.memory_space<vmem>>, %arg14: memref<4096xf32, #tpu.memory_space<vmem>>, %arg15: memref<4096xf32, #tpu.memory_space<vmem>>, %arg16: memref<256xf32, #tpu.memory_space<vmem>>, %arg17: memref<16xf32, #tpu.memory_space<vmem>>, %arg18: memref<!tpu.dma_semaphore, #tpu.memory_space<semaphore_mem>>, %arg19: memref<!tpu.dma_semaphore, #tpu.memory_space<semaphore_mem>>, %arg20: memref<!tpu.dma_semaphore, #tpu.memory_space<semaphore_mem>>, %arg21: memref<!tpu.dma_semaphore, #tpu.memory_space<semaphore_mem>>) attributes {dimension_semantics = [#tpu.dimension_semantics<core_parallel>, #tpu.dimension_semantics<subcore_parallel>], iteration_bounds = array<i64: 2, 16>, scalar_prefetch = 0 : i64, scratch_operands = 14 : i64, tpu.core_type = #tpu.core_type<sc_vector_subcore>, window_params = [{transform_indices = #map}, {transform_indices = #map1}, {transform_indices = #map}, {transform_indices = #map}, {transform_indices = #map1}, {transform_indices = #map1}]} {
    %mul3A = arith.constant 2 : i32
    %mul3A_0 = arith.muli %arg1, %mul3A : i32
    %add3A = arith.addi %mul3A_0, %arg0 : i32
    %mul3A_1 = arith.constant 256 : i32
    %mul3A_2 = arith.muli %add3A, %mul3A_1 : i32
    "tpu.region"() ({
      %run_scoped3A = tpu.sem_alloc : memref<!tpu.dma_semaphore, #tpu.memory_space<semaphore_mem>>
      %dma_start3A_59 = arith.constant 0 : i32
      %dma_start3A_60 = tpu.memref_slice %arg8[%dma_start3A_59] : memref<272xi32, #tpu.memory_space<vmem>> -> memref<256xi32, #tpu.memory_space<vmem>>
      %dma_start3A_61 = tpu.memref_slice %arg3[%mul3A_2] : memref<8192xi32, #tpu.memory_space<hbm>> -> memref<256xi32, #tpu.memory_space<hbm>>
      %dma_start3A_62 = arith.constant 0 : i32
      %dma_start3A_63 = tpu.memref_slice %arg8[%dma_start3A_62] : memref<272xi32, #tpu.memory_space<vmem>> -> memref<256xi32, #tpu.memory_space<vmem>>
      %dma_start3A_64 = tpu.memref_slice %arg3[%mul3A_2] : memref<8192xi32, #tpu.memory_space<hbm>> -> memref<256xi32, #tpu.memory_space<hbm>>
      tpu.enqueue_dma source(%dma_start3A_64 : memref<256xi32, #tpu.memory_space<hbm>>) target(%dma_start3A_63 : memref<256xi32, #tpu.memory_space<vmem>>) target_semaphore(%run_scoped3A : memref<!tpu.dma_semaphore, #tpu.memory_space<semaphore_mem>>)
      %dma_wait3A_65 = arith.constant 0 : i32
      %dma_wait3A_66 = tpu.memref_slice %arg8[%dma_wait3A_65] : memref<272xi32, #tpu.memory_space<vmem>> -> memref<256xi32, #tpu.memory_space<vmem>>
      %dma_wait3A_67 = tpu.memref_slice %arg3[%mul3A_2] : memref<8192xi32, #tpu.memory_space<hbm>> -> memref<256xi32, #tpu.memory_space<hbm>>
      %dma_wait3A_68 = arith.constant 0 : i32
      %dma_wait3A_69 = tpu.memref_slice %arg8[%dma_wait3A_68] : memref<272xi32, #tpu.memory_space<vmem>> -> memref<256xi32, #tpu.memory_space<vmem>>
      %dma_wait3A_70 = tpu.memref_slice %arg3[%mul3A_2] : memref<8192xi32, #tpu.memory_space<hbm>> -> memref<256xi32, #tpu.memory_space<hbm>>
      tpu.wait_dma2 semaphore(%run_scoped3A : memref<!tpu.dma_semaphore, #tpu.memory_space<semaphore_mem>>) src(%dma_wait3A_70 : memref<256xi32, #tpu.memory_space<hbm>>) dst(%dma_wait3A_69 : memref<256xi32, #tpu.memory_space<vmem>>)
      tpu.yield
    }) : () -> ()
    %add3A_3 = arith.constant 0 : i32
    %add3A_4 = arith.addi %mul3A_2, %add3A_3 : i32
    %dma_start3A = arith.constant 0 : i32
    %dma_start3A_5 = tpu.memref_slice %arg2[%add3A_4, %dma_start3A] : memref<8192x4096xf32, #tpu.memory_space<hbm>> -> memref<1x4096xf32, #tpu.memory_space<hbm>>
    %dma_start3A_6 = tpu.memref_squeeze %dma_start3A_5 : memref<1x4096xf32, #tpu.memory_space<hbm>> -> memref<4096xf32, #tpu.memory_space<hbm>>
    %dma_start3A_7 = arith.constant 0 : i32
    %dma_start3A_8 = tpu.memref_slice %arg2[%add3A_4, %dma_start3A_7] : memref<8192x4096xf32, #tpu.memory_space<hbm>> -> memref<1x4096xf32, #tpu.memory_space<hbm>>
    %dma_start3A_9 = tpu.memref_squeeze %dma_start3A_8 : memref<1x4096xf32, #tpu.memory_space<hbm>> -> memref<4096xf32, #tpu.memory_space<hbm>>
    tpu.enqueue_dma source(%dma_start3A_9 : memref<4096xf32, #tpu.memory_space<hbm>>) target(%arg9 : memref<4096xf32, #tpu.memory_space<vmem>>) target_semaphore(%arg18 : memref<!tpu.dma_semaphore, #tpu.memory_space<semaphore_mem>>)
    %broadcast_in_dim3A = arith.constant 0.000000e+00 : f32
    %broadcast_in_dim3A_10 = vector.broadcast %broadcast_in_dim3A : f32 to vector<16xf32>
    %broadcast_in_dim3A_11 = arith.constant 0.000000e+00 : f32
    %broadcast_in_dim3A_12 = vector.broadcast %broadcast_in_dim3A_11 : f32 to vector<16xf32>
    %scan3A = arith.constant 0 : i32
    %scan3A_13 = arith.constant 128 : i32
    %scan3A_14 = arith.addi %scan3A, %scan3A_13 : i32
    %scan3A_15 = arith.constant 1 : i32
    %scan3A_16:2 = scf.for %scan3A_59 = %scan3A to %scan3A_14 step %scan3A_15 iter_args(%scan3A_60 = %broadcast_in_dim3A_10, %scan3A_61 = %broadcast_in_dim3A_12) -> (vector<16xf32>, vector<16xf32>)  : i32 {
      %mul3A_62 = arith.constant 2 : i32
      %mul3A_63 = arith.muli %mul3A_62, %scan3A_59 : i32
      %add3A_64 = arith.constant 1 : i32
      %add3A_65 = arith.addi %mul3A_63, %add3A_64 : i32
      %lt3A = arith.constant 256 : i32
      %lt3A_66 = arith.cmpi slt, %add3A_65, %lt3A : i32
      %convert_element_type3A = arith.extui %lt3A_66 : i1 to i32
      %cond3A = arith.constant 0 : i32
      %cond3A_67 = arith.cmpi ne, %convert_element_type3A, %cond3A : i32
      scf.if %cond3A_67 {
        %add3A_264 = arith.constant 1 : i32
        %add3A_265 = arith.addi %mul3A_63, %add3A_264 : i32
        %add3A_266 = arith.addi %mul3A_2, %add3A_265 : i32
        %dma_start3A_267 = arith.constant 0 : i32
        %dma_start3A_268 = tpu.memref_slice %arg2[%add3A_266, %dma_start3A_267] : memref<8192x4096xf32, #tpu.memory_space<hbm>> -> memref<1x4096xf32, #tpu.memory_space<hbm>>
        %dma_start3A_269 = tpu.memref_squeeze %dma_start3A_268 : memref<1x4096xf32, #tpu.memory_space<hbm>> -> memref<4096xf32, #tpu.memory_space<hbm>>
        %dma_start3A_270 = arith.constant 0 : i32
        %dma_start3A_271 = tpu.memref_slice %arg2[%add3A_266, %dma_start3A_270] : memref<8192x4096xf32, #tpu.memory_space<hbm>> -> memref<1x4096xf32, #tpu.memory_space<hbm>>
        %dma_start3A_272 = tpu.memref_squeeze %dma_start3A_271 : memref<1x4096xf32, #tpu.memory_space<hbm>> -> memref<4096xf32, #tpu.memory_space<hbm>>
        tpu.enqueue_dma source(%dma_start3A_272 : memref<4096xf32, #tpu.memory_space<hbm>>) target(%arg10 : memref<4096xf32, #tpu.memory_space<vmem>>) target_semaphore(%arg19 : memref<!tpu.dma_semaphore, #tpu.memory_space<semaphore_mem>>)
      } else {
      }
      %add3A_68 = arith.addi %mul3A_2, %mul3A_63 : i32
      %dma_wait3A_69 = arith.constant 0 : i32
      %dma_wait3A_70 = tpu.memref_slice %arg2[%add3A_68, %dma_wait3A_69] : memref<8192x4096xf32, #tpu.memory_space<hbm>> -> memref<1x4096xf32, #tpu.memory_space<hbm>>
      %dma_wait3A_71 = tpu.memref_squeeze %dma_wait3A_70 : memref<1x4096xf32, #tpu.memory_space<hbm>> -> memref<4096xf32, #tpu.memory_space<hbm>>
      %dma_wait3A_72 = arith.constant 0 : i32
      %dma_wait3A_73 = tpu.memref_slice %arg2[%add3A_68, %dma_wait3A_72] : memref<8192x4096xf32, #tpu.memory_space<hbm>> -> memref<1x4096xf32, #tpu.memory_space<hbm>>
      %dma_wait3A_74 = tpu.memref_squeeze %dma_wait3A_73 : memref<1x4096xf32, #tpu.memory_space<hbm>> -> memref<4096xf32, #tpu.memory_space<hbm>>
      tpu.wait_dma2 semaphore(%arg18 : memref<!tpu.dma_semaphore, #tpu.memory_space<semaphore_mem>>) src(%dma_wait3A_74 : memref<4096xf32, #tpu.memory_space<hbm>>) dst(%arg9 : memref<4096xf32, #tpu.memory_space<vmem>>)
      %get3A = arith.index_cast %mul3A_63 : i32 to index
      %get3A_75 = tpu.vector_load %arg8[%get3A] {strides = array<i32>} : memref<272xi32, #tpu.memory_space<vmem>>, vector<16xi32>,
      %slice3A = vector.extract_strided_slice %get3A_75 {offsets = [0], sizes = [1], strides = [1]} : vector<16xi32> to vector<1xi32>
      %squeeze3A = vector.extract %slice3A[0] : i32 from vector<1xi32>
      %iota3A = tpu.iota {dimensions = array<i32: 0>} : vector<16xi32>
      %scan3A_76 = arith.constant 0 : i32
      %scan3A_77 = arith.constant 2139095039 : i32
      %scan3A_78 = arith.constant 0 : i32
      %scan3A_79 = arith.constant 31 : i32
      %scan3A_80 = arith.addi %scan3A_78, %scan3A_79 : i32
      %scan3A_81 = arith.constant 1 : i32
      %scan3A_82:2 = scf.for %scan3A_264 = %scan3A_78 to %scan3A_80 step %scan3A_81 iter_args(%scan3A_265 = %scan3A_76, %scan3A_266 = %scan3A_77) -> (i32, i32)  : i32 {
        %sub3A_267 = arith.subi %scan3A_266, %scan3A_265 : i32
        %shift_right_arithmetic3A = arith.constant 1 : i32
        %shift_right_arithmetic3A_268 = arith.shrsi %sub3A_267, %shift_right_arithmetic3A : i32
        %add3A_269 = arith.addi %scan3A_265, %shift_right_arithmetic3A_268 : i32
        %broadcast_in_dim3A_270 = arith.constant 0 : i32
        %broadcast_in_dim3A_271 = vector.broadcast %broadcast_in_dim3A_270 : i32 to vector<16xi32>
        %scan3A_272 = arith.constant 0 : i32
        %scan3A_273 = arith.constant 32 : i32
        %scan3A_274 = arith.addi %scan3A_272, %scan3A_273 : i32
        %scan3A_275 = arith.constant 1 : i32
        %scan3A_276 = scf.for %scan3A_285 = %scan3A_272 to %scan3A_274 step %scan3A_275 iter_args(%scan3A_286 = %broadcast_in_dim3A_271) -> (vector<16xi32>)  : i32 {
          %mul3A_287 = arith.constant 8 : i32
          %mul3A_288 = arith.muli %scan3A_285, %mul3A_287 : i32
          %add3A_289 = arith.constant 0 : i32
          %add3A_290 = arith.addi %mul3A_288, %add3A_289 : i32
          %mul3A_291 = arith.constant 16 : i32
          %mul3A_292 = arith.muli %add3A_290, %mul3A_291 : i32
          %get3A_293 = arith.index_cast %mul3A_292 : i32 to index
          %get3A_294 = tpu.vector_load %arg9[%get3A_293] {strides = array<i32>} : memref<4096xf32, #tpu.memory_space<vmem>>, vector<16xf32>,
          %bitcast_convert_type3A = tpu.bitcast %get3A_294 : vector<16xf32> -> vector<16xi32>
          %and3A_295 = arith.constant 2147483647 : i32
          %and3A_296 = vector.broadcast %and3A_295 : i32 to vector<16xi32>
          %and3A_297 = arith.andi %bitcast_convert_type3A, %and3A_296 : vector<16xi32>
          %le3A = vector.broadcast %add3A_269 : i32 to vector<16xi32>
          %le3A_298 = arith.cmpi sle, %and3A_297, %le3A : vector<16xi32>
          %all_reduce_population_count3A = tpu.all_reduce %le3A_298 {dim = 0 : i64, kind = #tpu.reduction_kind<sum>} : vector<16xi1> -> vector<16xi32>
          %add3A_299 = arith.addi %scan3A_286, %all_reduce_population_count3A : vector<16xi32>
          %mul3A_300 = arith.constant 8 : i32
          %mul3A_301 = arith.muli %scan3A_285, %mul3A_300 : i32
          %add3A_302 = arith.constant 1 : i32
          %add3A_303 = arith.addi %mul3A_301, %add3A_302 : i32
          %mul3A_304 = arith.constant 16 : i32
          %mul3A_305 = arith.muli %add3A_303, %mul3A_304 : i32
          %get3A_306 = arith.index_cast %mul3A_305 : i32 to index
          %get3A_307 = tpu.vector_load %arg9[%get3A_306] {strides = array<i32>} : memref<4096xf32, #tpu.memory_space<vmem>>, vector<16xf32>,
          %bitcast_convert_type3A_308 = tpu.bitcast %get3A_307 : vector<16xf32> -> vector<16xi32>
          %and3A_309 = arith.constant 2147483647 : i32
          %and3A_310 = vector.broadcast %and3A_309 : i32 to vector<16xi32>
          %and3A_311 = arith.andi %bitcast_convert_type3A_308, %and3A_310 : vector<16xi32>
          %le3A_312 = vector.broadcast %add3A_269 : i32 to vector<16xi32>
          %le3A_313 = arith.cmpi sle, %and3A_311, %le3A_312 : vector<16xi32>
          %all_reduce_population_count3A_314 = tpu.all_reduce %le3A_313 {dim = 0 : i64, kind = #tpu.reduction_kind<sum>} : vector<16xi1> -> vector<16xi32>
          %add3A_315 = arith.addi %add3A_299, %all_reduce_population_count3A_314 : vector<16xi32>
          %mul3A_316 = arith.constant 8 : i32
          %mul3A_317 = arith.muli %scan3A_285, %mul3A_316 : i32
          %add3A_318 = arith.constant 2 : i32
          %add3A_319 = arith.addi %mul3A_317, %add3A_318 : i32
          %mul3A_320 = arith.constant 16 : i32
          %mul3A_321 = arith.muli %add3A_319, %mul3A_320 : i32
          %get3A_322 = arith.index_cast %mul3A_321 : i32 to index
          %get3A_323 = tpu.vector_load %arg9[%get3A_322] {strides = array<i32>} : memref<4096xf32, #tpu.memory_space<vmem>>, vector<16xf32>,
          %bitcast_convert_type3A_324 = tpu.bitcast %get3A_323 : vector<16xf32> -> vector<16xi32>
          %and3A_325 = arith.constant 2147483647 : i32
          %and3A_326 = vector.broadcast %and3A_325 : i32 to vector<16xi32>
          %and3A_327 = arith.andi %bitcast_convert_type3A_324, %and3A_326 : vector<16xi32>
          %le3A_328 = vector.broadcast %add3A_269 : i32 to vector<16xi32>
          %le3A_329 = arith.cmpi sle, %and3A_327, %le3A_328 : vector<16xi32>
          %all_reduce_population_count3A_330 = tpu.all_reduce %le3A_329 {dim = 0 : i64, kind = #tpu.reduction_kind<sum>} : vector<16xi1> -> vector<16xi32>
          %add3A_331 = arith.addi %add3A_315, %all_reduce_population_count3A_330 : vector<16xi32>
          %mul3A_332 = arith.constant 8 : i32
          %mul3A_333 = arith.muli %scan3A_285, %mul3A_332 : i32
          %add3A_334 = arith.constant 3 : i32
          %add3A_335 = arith.addi %mul3A_333, %add3A_334 : i32
          %mul3A_336 = arith.constant 16 : i32
          %mul3A_337 = arith.muli %add3A_335, %mul3A_336 : i32
          %get3A_338 = arith.index_cast %mul3A_337 : i32 to index
          %get3A_339 = tpu.vector_load %arg9[%get3A_338] {strides = array<i32>} : memref<4096xf32, #tpu.memory_space<vmem>>, vector<16xf32>,
          %bitcast_convert_type3A_340 = tpu.bitcast %get3A_339 : vector<16xf32> -> vector<16xi32>
          %and3A_341 = arith.constant 2147483647 : i32
          %and3A_342 = vector.broadcast %and3A_341 : i32 to vector<16xi32>
          %and3A_343 = arith.andi %bitcast_convert_type3A_340, %and3A_342 : vector<16xi32>
          %le3A_344 = vector.broadcast %add3A_269 : i32 to vector<16xi32>
          %le3A_345 = arith.cmpi sle, %and3A_343, %le3A_344 : vector<16xi32>
          %all_reduce_population_count3A_346 = tpu.all_reduce %le3A_345 {dim = 0 : i64, kind = #tpu.reduction_kind<sum>} : vector<16xi1> -> vector<16xi32>
          %add3A_347 = arith.addi %add3A_331, %all_reduce_population_count3A_346 : vector<16xi32>
          %mul3A_348 = arith.constant 8 : i32
          %mul3A_349 = arith.muli %scan3A_285, %mul3A_348 : i32
          %add3A_350 = arith.constant 4 : i32
          %add3A_351 = arith.addi %mul3A_349, %add3A_350 : i32
          %mul3A_352 = arith.constant 16 : i32
          %mul3A_353 = arith.muli %add3A_351, %mul3A_352 : i32
          %get3A_354 = arith.index_cast %mul3A_353 : i32 to index
          %get3A_355 = tpu.vector_load %arg9[%get3A_354] {strides = array<i32>} : memref<4096xf32, #tpu.memory_space<vmem>>, vector<16xf32>,
          %bitcast_convert_type3A_356 = tpu.bitcast %get3A_355 : vector<16xf32> -> vector<16xi32>
          %and3A_357 = arith.constant 2147483647 : i32
          %and3A_358 = vector.broadcast %and3A_357 : i32 to vector<16xi32>
          %and3A_359 = arith.andi %bitcast_convert_type3A_356, %and3A_358 : vector<16xi32>
          %le3A_360 = vector.broadcast %add3A_269 : i32 to vector<16xi32>
          %le3A_361 = arith.cmpi sle, %and3A_359, %le3A_360 : vector<16xi32>
          %all_reduce_population_count3A_362 = tpu.all_reduce %le3A_361 {dim = 0 : i64, kind = #tpu.reduction_kind<sum>} : vector<16xi1> -> vector<16xi32>
          %add3A_363 = arith.addi %add3A_347, %all_reduce_population_count3A_362 : vector<16xi32>
          %mul3A_364 = arith.constant 8 : i32
          %mul3A_365 = arith.muli %scan3A_285, %mul3A_364 : i32
          %add3A_366 = arith.constant 5 : i32
          %add3A_367 = arith.addi %mul3A_365, %add3A_366 : i32
          %mul3A_368 = arith.constant 16 : i32
          %mul3A_369 = arith.muli %add3A_367, %mul3A_368 : i32
          %get3A_370 = arith.index_cast %mul3A_369 : i32 to index
          %get3A_371 = tpu.vector_load %arg9[%get3A_370] {strides = array<i32>} : memref<4096xf32, #tpu.memory_space<vmem>>, vector<16xf32>,
          %bitcast_convert_type3A_372 = tpu.bitcast %get3A_371 : vector<16xf32> -> vector<16xi32>
          %and3A_373 = arith.constant 2147483647 : i32
          %and3A_374 = vector.broadcast %and3A_373 : i32 to vector<16xi32>
          %and3A_375 = arith.andi %bitcast_convert_type3A_372, %and3A_374 : vector<16xi32>
          %le3A_376 = vector.broadcast %add3A_269 : i32 to vector<16xi32>
          %le3A_377 = arith.cmpi sle, %and3A_375, %le3A_376 : vector<16xi32>
          %all_reduce_population_count3A_378 = tpu.all_reduce %le3A_377 {dim = 0 : i64, kind = #tpu.reduction_kind<sum>} : vector<16xi1> -> vector<16xi32>
          %add3A_379 = arith.addi %add3A_363, %all_reduce_population_count3A_378 : vector<16xi32>
          %mul3A_380 = arith.constant 8 : i32
          %mul3A_381 = arith.muli %scan3A_285, %mul3A_380 : i32
          %add3A_382 = arith.constant 6 : i32
          %add3A_383 = arith.addi %mul3A_381, %add3A_382 : i32
          %mul3A_384 = arith.constant 16 : i32
          %mul3A_385 = arith.muli %add3A_383, %mul3A_384 : i32
          %get3A_386 = arith.index_cast %mul3A_385 : i32 to index
          %get3A_387 = tpu.vector_load %arg9[%get3A_386] {strides = array<i32>} : memref<4096xf32, #tpu.memory_space<vmem>>, vector<16xf32>,
          %bitcast_convert_type3A_388 = tpu.bitcast %get3A_387 : vector<16xf32> -> vector<16xi32>
          %and3A_389 = arith.constant 2147483647 : i32
          %and3A_390 = vector.broadcast %and3A_389 : i32 to vector<16xi32>
          %and3A_391 = arith.andi %bitcast_convert_type3A_388, %and3A_390 : vector<16xi32>
          %le3A_392 = vector.broadcast %add3A_269 : i32 to vector<16xi32>
          %le3A_393 = arith.cmpi sle, %and3A_391, %le3A_392 : vector<16xi32>
          %all_reduce_population_count3A_394 = tpu.all_reduce %le3A_393 {dim = 0 : i64, kind = #tpu.reduction_kind<sum>} : vector<16xi1> -> vector<16xi32>
          %add3A_395 = arith.addi %add3A_379, %all_reduce_population_count3A_394 : vector<16xi32>
          %mul3A_396 = arith.constant 8 : i32
          %mul3A_397 = arith.muli %scan3A_285, %mul3A_396 : i32
          %add3A_398 = arith.constant 7 : i32
          %add3A_399 = arith.addi %mul3A_397, %add3A_398 : i32
          %mul3A_400 = arith.constant 16 : i32
          %mul3A_401 = arith.muli %add3A_399, %mul3A_400 : i32
          %get3A_402 = arith.index_cast %mul3A_401 : i32 to index
          %get3A_403 = tpu.vector_load %arg9[%get3A_402] {strides = array<i32>} : memref<4096xf32, #tpu.memory_space<vmem>>, vector<16xf32>,
          %bitcast_convert_type3A_404 = tpu.bitcast %get3A_403 : vector<16xf32> -> vector<16xi32>
          %and3A_405 = arith.constant 2147483647 : i32
          %and3A_406 = vector.broadcast %and3A_405 : i32 to vector<16xi32>
          %and3A_407 = arith.andi %bitcast_convert_type3A_404, %and3A_406 : vector<16xi32>
          %le3A_408 = vector.broadcast %add3A_269 : i32 to vector<16xi32>
          %le3A_409 = arith.cmpi sle, %and3A_407, %le3A_408 : vector<16xi32>
          %all_reduce_population_count3A_410 = tpu.all_reduce %le3A_409 {dim = 0 : i64, kind = #tpu.reduction_kind<sum>} : vector<16xi1> -> vector<16xi32>
          %add3A_411 = arith.addi %add3A_395, %all_reduce_population_count3A_410 : vector<16xi32>
          scf.yield %add3A_411 : vector<16xi32>
        }
        %scan3A_277 = arith.constant 32 : i32
        %slice3A_278 = vector.extract_strided_slice %scan3A_276 {offsets = [0], sizes = [1], strides = [1]} : vector<16xi32> to vector<1xi32>
        %squeeze3A_279 = vector.extract %slice3A_278[0] : i32 from vector<1xi32>
        %ge3A_280 = arith.cmpi sge, %squeeze3A_279, %squeeze3A : i32
        %add3A_281 = arith.constant 1 : i32
        %add3A_282 = arith.addi %add3A_269, %add3A_281 : i32
        %select_n3A_283 = arith.select %ge3A_280, %scan3A_265, %add3A_282 : i32
        %select_n3A_284 = arith.select %ge3A_280, %add3A_269, %scan3A_266 : i32
        scf.yield %select_n3A_283, %select_n3A_284 : i32, i32
      }
      %scan3A_83 = arith.constant 31 : i32
      %ge3A = arith.constant 2 : i32
      %ge3A_84 = arith.cmpi sge, %mul3A_63, %ge3A : i32
      %convert_element_type3A_85 = arith.extui %ge3A_84 : i1 to i32
      %cond3A_86 = arith.constant 0 : i32
      %cond3A_87 = arith.cmpi ne, %convert_element_type3A_85, %cond3A_86 : i32
      scf.if %cond3A_87 {
        %sub3A_264 = arith.constant 2 : i32
        %sub3A_265 = arith.subi %add3A_68, %sub3A_264 : i32
        %dma_wait3A_266 = arith.constant 0 : i32
        %dma_wait3A_267 = tpu.memref_slice %arg4[%sub3A_265, %dma_wait3A_266] : memref<8192x4096xf32, #tpu.memory_space<hbm>> -> memref<1x4096xf32, #tpu.memory_space<hbm>>
        %dma_wait3A_268 = tpu.memref_squeeze %dma_wait3A_267 : memref<1x4096xf32, #tpu.memory_space<hbm>> -> memref<4096xf32, #tpu.memory_space<hbm>>
        %dma_wait3A_269 = arith.constant 0 : i32
        %dma_wait3A_270 = tpu.memref_slice %arg4[%sub3A_265, %dma_wait3A_269] : memref<8192x4096xf32, #tpu.memory_space<hbm>> -> memref<1x4096xf32, #tpu.memory_space<hbm>>
        %dma_wait3A_271 = tpu.memref_squeeze %dma_wait3A_270 : memref<1x4096xf32, #tpu.memory_space<hbm>> -> memref<4096xf32, #tpu.memory_space<hbm>>
        tpu.wait_dma2 semaphore(%arg20 : memref<!tpu.dma_semaphore, #tpu.memory_space<semaphore_mem>>) src(%arg12 : memref<4096xf32, #tpu.memory_space<vmem>>) dst(%dma_wait3A_271 : memref<4096xf32, #tpu.memory_space<hbm>>)
        %sub3A_272 = arith.constant 2 : i32
        %sub3A_273 = arith.subi %add3A_68, %sub3A_272 : i32
        %dma_wait3A_274 = arith.constant 0 : i32
        %dma_wait3A_275 = tpu.memref_slice %arg5[%sub3A_273, %dma_wait3A_274] : memref<8192x4096xf32, #tpu.memory_space<hbm>> -> memref<1x4096xf32, #tpu.memory_space<hbm>>
        %dma_wait3A_276 = tpu.memref_squeeze %dma_wait3A_275 : memref<1x4096xf32, #tpu.memory_space<hbm>> -> memref<4096xf32, #tpu.memory_space<hbm>>
        %dma_wait3A_277 = arith.constant 0 : i32
        %dma_wait3A_278 = tpu.memref_slice %arg5[%sub3A_273, %dma_wait3A_277] : memref<8192x4096xf32, #tpu.memory_space<hbm>> -> memref<1x4096xf32, #tpu.memory_space<hbm>>
        %dma_wait3A_279 = tpu.memref_squeeze %dma_wait3A_278 : memref<1x4096xf32, #tpu.memory_space<hbm>> -> memref<4096xf32, #tpu.memory_space<hbm>>
        tpu.wait_dma2 semaphore(%arg20 : memref<!tpu.dma_semaphore, #tpu.memory_space<semaphore_mem>>) src(%arg14 : memref<4096xf32, #tpu.memory_space<vmem>>) dst(%dma_wait3A_279 : memref<4096xf32, #tpu.memory_space<hbm>>)
      } else {
      }
      %broadcast_in_dim3A_88 = arith.constant 0 : i32
      %broadcast_in_dim3A_89 = vector.broadcast %broadcast_in_dim3A_88 : i32 to vector<16xi32>
      %broadcast_in_dim3A_90 = arith.constant 0.000000e+00 : f32
      %broadcast_in_dim3A_91 = vector.broadcast %broadcast_in_dim3A_90 : f32 to vector<16xf32>
      %scan3A_92 = arith.constant 0 : i32
      %scan3A_93 = arith.constant 32 : i32
      %scan3A_94 = arith.addi %scan3A_92, %scan3A_93 : i32
      %scan3A_95 = arith.constant 1 : i32
      %scan3A_96:2 = scf.for %scan3A_264 = %scan3A_92 to %scan3A_94 step %scan3A_95 iter_args(%scan3A_265 = %broadcast_in_dim3A_89, %scan3A_266 = %broadcast_in_dim3A_91) -> (vector<16xi32>, vector<16xf32>)  : i32 {
        %mul3A_267 = arith.constant 8 : i32
        %mul3A_268 = arith.muli %scan3A_264, %mul3A_267 : i32
        %add3A_269 = arith.constant 0 : i32
        %add3A_270 = arith.addi %mul3A_268, %add3A_269 : i32
        %mul3A_271 = arith.constant 16 : i32
        %mul3A_272 = arith.muli %add3A_270, %mul3A_271 : i32
        %get3A_273 = arith.index_cast %mul3A_272 : i32 to index
        %get3A_274 = tpu.vector_load %arg9[%get3A_273] {strides = array<i32>} : memref<4096xf32, #tpu.memory_space<vmem>>, vector<16xf32>,
        %bitcast_convert_type3A = tpu.bitcast %get3A_274 : vector<16xf32> -> vector<16xi32>
        %and3A_275 = arith.constant 2147483647 : i32
        %and3A_276 = vector.broadcast %and3A_275 : i32 to vector<16xi32>
        %and3A_277 = arith.andi %bitcast_convert_type3A, %and3A_276 : vector<16xi32>
        %gt3A = vector.broadcast %scan3A_82#0 : i32 to vector<16xi32>
        %gt3A_278 = arith.cmpi sgt, %and3A_277, %gt3A : vector<16xi32>
        %jit3A_279 = arith.constant 1.000000e+00 : f32
        %jit3A_280 = arith.constant 0.000000e+00 : f32
        %broadcast_in_dim3A_281 = vector.broadcast %jit3A_279 : f32 to vector<16xf32>
        %broadcast_in_dim3A_282 = vector.broadcast %jit3A_280 : f32 to vector<16xf32>
        %select_n3A_283 = arith.select %gt3A_278, %broadcast_in_dim3A_281, %broadcast_in_dim3A_282 : vector<16xi1>, vector<16xf32>
        %swap3A_284 = arith.index_cast %mul3A_272 : i32 to index
        %swap3A_285 = tpu.vector_load %arg14[%swap3A_284] {strides = array<i32>} : memref<4096xf32, #tpu.memory_space<vmem>>, vector<16xf32>,
        tpu.vector_store %arg14[%swap3A_284], %select_n3A_283 {strides = array<i32>} : memref<4096xf32, #tpu.memory_space<vmem>>, vector<16xf32>,
        %jit3A_286 = arith.constant 0.000000e+00 : f32
        %broadcast_in_dim3A_287 = vector.broadcast %jit3A_286 : f32 to vector<16xf32>
        %select_n3A_288 = arith.select %gt3A_278, %get3A_274, %broadcast_in_dim3A_287 : vector<16xi1>, vector<16xf32>
        %swap3A_289 = arith.index_cast %mul3A_272 : i32 to index
        %swap3A_290 = tpu.vector_load %arg12[%swap3A_289] {strides = array<i32>} : memref<4096xf32, #tpu.memory_space<vmem>>, vector<16xf32>,
        tpu.vector_store %arg12[%swap3A_289], %select_n3A_288 {strides = array<i32>} : memref<4096xf32, #tpu.memory_space<vmem>>, vector<16xf32>,
        %all_reduce_population_count3A = tpu.all_reduce %gt3A_278 {dim = 0 : i64, kind = #tpu.reduction_kind<sum>} : vector<16xi1> -> vector<16xi32>
        %add3A_291 = arith.addi %scan3A_265, %all_reduce_population_count3A : vector<16xi32>
        %bitcast_convert_type3A_292 = tpu.bitcast %and3A_277 : vector<16xi32> -> vector<16xf32>
        %jit3A_293 = arith.constant 0.000000e+00 : f32
        %broadcast_in_dim3A_294 = vector.broadcast %jit3A_293 : f32 to vector<16xf32>
        %select_n3A_295 = arith.select %gt3A_278, %bitcast_convert_type3A_292, %broadcast_in_dim3A_294 : vector<16xi1>, vector<16xf32>
        %add3A_296 = arith.addf %scan3A_266, %select_n3A_295 : vector<16xf32>
        %mul3A_297 = arith.constant 8 : i32
        %mul3A_298 = arith.muli %scan3A_264, %mul3A_297 : i32
        %add3A_299 = arith.constant 1 : i32
        %add3A_300 = arith.addi %mul3A_298, %add3A_299 : i32
        %mul3A_301 = arith.constant 16 : i32
        %mul3A_302 = arith.muli %add3A_300, %mul3A_301 : i32
        %get3A_303 = arith.index_cast %mul3A_302 : i32 to index
        %get3A_304 = tpu.vector_load %arg9[%get3A_303] {strides = array<i32>} : memref<4096xf32, #tpu.memory_space<vmem>>, vector<16xf32>,
        %bitcast_convert_type3A_305 = tpu.bitcast %get3A_304 : vector<16xf32> -> vector<16xi32>
        %and3A_306 = arith.constant 2147483647 : i32
        %and3A_307 = vector.broadcast %and3A_306 : i32 to vector<16xi32>
        %and3A_308 = arith.andi %bitcast_convert_type3A_305, %and3A_307 : vector<16xi32>
        %gt3A_309 = vector.broadcast %scan3A_82#0 : i32 to vector<16xi32>
        %gt3A_310 = arith.cmpi sgt, %and3A_308, %gt3A_309 : vector<16xi32>
        %jit3A_311 = arith.constant 1.000000e+00 : f32
        %jit3A_312 = arith.constant 0.000000e+00 : f32
        %broadcast_in_dim3A_313 = vector.broadcast %jit3A_311 : f32 to vector<16xf32>
        %broadcast_in_dim3A_314 = vector.broadcast %jit3A_312 : f32 to vector<16xf32>
        %select_n3A_315 = arith.select %gt3A_310, %broadcast_in_dim3A_313, %broadcast_in_dim3A_314 : vector<16xi1>, vector<16xf32>
        %swap3A_316 = arith.index_cast %mul3A_302 : i32 to index
        %swap3A_317 = tpu.vector_load %arg14[%swap3A_316] {strides = array<i32>} : memref<4096xf32, #tpu.memory_space<vmem>>, vector<16xf32>,
        tpu.vector_store %arg14[%swap3A_316], %select_n3A_315 {strides = array<i32>} : memref<4096xf32, #tpu.memory_space<vmem>>, vector<16xf32>,
        %jit3A_318 = arith.constant 0.000000e+00 : f32
        %broadcast_in_dim3A_319 = vector.broadcast %jit3A_318 : f32 to vector<16xf32>
        %select_n3A_320 = arith.select %gt3A_310, %get3A_304, %broadcast_in_dim3A_319 : vector<16xi1>, vector<16xf32>
        %swap3A_321 = arith.index_cast %mul3A_302 : i32 to index
        %swap3A_322 = tpu.vector_load %arg12[%swap3A_321] {strides = array<i32>} : memref<4096xf32, #tpu.memory_space<vmem>>, vector<16xf32>,
        tpu.vector_store %arg12[%swap3A_321], %select_n3A_320 {strides = array<i32>} : memref<4096xf32, #tpu.memory_space<vmem>>, vector<16xf32>,
        %all_reduce_population_count3A_323 = tpu.all_reduce %gt3A_310 {dim = 0 : i64, kind = #tpu.reduction_kind<sum>} : vector<16xi1> -> vector<16xi32>
        %add3A_324 = arith.addi %add3A_291, %all_reduce_population_count3A_323 : vector<16xi32>
        %bitcast_convert_type3A_325 = tpu.bitcast %and3A_308 : vector<16xi32> -> vector<16xf32>
        %jit3A_326 = arith.constant 0.000000e+00 : f32
        %broadcast_in_dim3A_327 = vector.broadcast %jit3A_326 : f32 to vector<16xf32>
        %select_n3A_328 = arith.select %gt3A_310, %bitcast_convert_type3A_325, %broadcast_in_dim3A_327 : vector<16xi1>, vector<16xf32>
        %add3A_329 = arith.addf %add3A_296, %select_n3A_328 : vector<16xf32>
        %mul3A_330 = arith.constant 8 : i32
        %mul3A_331 = arith.muli %scan3A_264, %mul3A_330 : i32
        %add3A_332 = arith.constant 2 : i32
        %add3A_333 = arith.addi %mul3A_331, %add3A_332 : i32
        %mul3A_334 = arith.constant 16 : i32
        %mul3A_335 = arith.muli %add3A_333, %mul3A_334 : i32
        %get3A_336 = arith.index_cast %mul3A_335 : i32 to index
        %get3A_337 = tpu.vector_load %arg9[%get3A_336] {strides = array<i32>} : memref<4096xf32, #tpu.memory_space<vmem>>, vector<16xf32>,
        %bitcast_convert_type3A_338 = tpu.bitcast %get3A_337 : vector<16xf32> -> vector<16xi32>
        %and3A_339 = arith.constant 2147483647 : i32
        %and3A_340 = vector.broadcast %and3A_339 : i32 to vector<16xi32>
        %and3A_341 = arith.andi %bitcast_convert_type3A_338, %and3A_340 : vector<16xi32>
        %gt3A_342 = vector.broadcast %scan3A_82#0 : i32 to vector<16xi32>
        %gt3A_343 = arith.cmpi sgt, %and3A_341, %gt3A_342 : vector<16xi32>
        %jit3A_344 = arith.constant 1.000000e+00 : f32
        %jit3A_345 = arith.constant 0.000000e+00 : f32
        %broadcast_in_dim3A_346 = vector.broadcast %jit3A_344 : f32 to vector<16xf32>
        %broadcast_in_dim3A_347 = vector.broadcast %jit3A_345 : f32 to vector<16xf32>
        %select_n3A_348 = arith.select %gt3A_343, %broadcast_in_dim3A_346, %broadcast_in_dim3A_347 : vector<16xi1>, vector<16xf32>
        %swap3A_349 = arith.index_cast %mul3A_335 : i32 to index
        %swap3A_350 = tpu.vector_load %arg14[%swap3A_349] {strides = array<i32>} : memref<4096xf32, #tpu.memory_space<vmem>>, vector<16xf32>,
        tpu.vector_store %arg14[%swap3A_349], %select_n3A_348 {strides = array<i32>} : memref<4096xf32, #tpu.memory_space<vmem>>, vector<16xf32>,
        %jit3A_351 = arith.constant 0.000000e+00 : f32
        %broadcast_in_dim3A_352 = vector.broadcast %jit3A_351 : f32 to vector<16xf32>
        %select_n3A_353 = arith.select %gt3A_343, %get3A_337, %broadcast_in_dim3A_352 : vector<16xi1>, vector<16xf32>
        %swap3A_354 = arith.index_cast %mul3A_335 : i32 to index
        %swap3A_355 = tpu.vector_load %arg12[%swap3A_354] {strides = array<i32>} : memref<4096xf32, #tpu.memory_space<vmem>>, vector<16xf32>,
        tpu.vector_store %arg12[%swap3A_354], %select_n3A_353 {strides = array<i32>} : memref<4096xf32, #tpu.memory_space<vmem>>, vector<16xf32>,
        %all_reduce_population_count3A_356 = tpu.all_reduce %gt3A_343 {dim = 0 : i64, kind = #tpu.reduction_kind<sum>} : vector<16xi1> -> vector<16xi32>
        %add3A_357 = arith.addi %add3A_324, %all_reduce_population_count3A_356 : vector<16xi32>
        %bitcast_convert_type3A_358 = tpu.bitcast %and3A_341 : vector<16xi32> -> vector<16xf32>
        %jit3A_359 = arith.constant 0.000000e+00 : f32
        %broadcast_in_dim3A_360 = vector.broadcast %jit3A_359 : f32 to vector<16xf32>
        %select_n3A_361 = arith.select %gt3A_343, %bitcast_convert_type3A_358, %broadcast_in_dim3A_360 : vector<16xi1>, vector<16xf32>
        %add3A_362 = arith.addf %add3A_329, %select_n3A_361 : vector<16xf32>
        %mul3A_363 = arith.constant 8 : i32
        %mul3A_364 = arith.muli %scan3A_264, %mul3A_363 : i32
        %add3A_365 = arith.constant 3 : i32
        %add3A_366 = arith.addi %mul3A_364, %add3A_365 : i32
        %mul3A_367 = arith.constant 16 : i32
        %mul3A_368 = arith.muli %add3A_366, %mul3A_367 : i32
        %get3A_369 = arith.index_cast %mul3A_368 : i32 to index
        %get3A_370 = tpu.vector_load %arg9[%get3A_369] {strides = array<i32>} : memref<4096xf32, #tpu.memory_space<vmem>>, vector<16xf32>,
        %bitcast_convert_type3A_371 = tpu.bitcast %get3A_370 : vector<16xf32> -> vector<16xi32>
        %and3A_372 = arith.constant 2147483647 : i32
        %and3A_373 = vector.broadcast %and3A_372 : i32 to vector<16xi32>
        %and3A_374 = arith.andi %bitcast_convert_type3A_371, %and3A_373 : vector<16xi32>
        %gt3A_375 = vector.broadcast %scan3A_82#0 : i32 to vector<16xi32>
        %gt3A_376 = arith.cmpi sgt, %and3A_374, %gt3A_375 : vector<16xi32>
        %jit3A_377 = arith.constant 1.000000e+00 : f32
        %jit3A_378 = arith.constant 0.000000e+00 : f32
        %broadcast_in_dim3A_379 = vector.broadcast %jit3A_377 : f32 to vector<16xf32>
        %broadcast_in_dim3A_380 = vector.broadcast %jit3A_378 : f32 to vector<16xf32>
        %select_n3A_381 = arith.select %gt3A_376, %broadcast_in_dim3A_379, %broadcast_in_dim3A_380 : vector<16xi1>, vector<16xf32>
        %swap3A_382 = arith.index_cast %mul3A_368 : i32 to index
        %swap3A_383 = tpu.vector_load %arg14[%swap3A_382] {strides = array<i32>} : memref<4096xf32, #tpu.memory_space<vmem>>, vector<16xf32>,
        tpu.vector_store %arg14[%swap3A_382], %select_n3A_381 {strides = array<i32>} : memref<4096xf32, #tpu.memory_space<vmem>>, vector<16xf32>,
        %jit3A_384 = arith.constant 0.000000e+00 : f32
        %broadcast_in_dim3A_385 = vector.broadcast %jit3A_384 : f32 to vector<16xf32>
        %select_n3A_386 = arith.select %gt3A_376, %get3A_370, %broadcast_in_dim3A_385 : vector<16xi1>, vector<16xf32>
        %swap3A_387 = arith.index_cast %mul3A_368 : i32 to index
        %swap3A_388 = tpu.vector_load %arg12[%swap3A_387] {strides = array<i32>} : memref<4096xf32, #tpu.memory_space<vmem>>, vector<16xf32>,
        tpu.vector_store %arg12[%swap3A_387], %select_n3A_386 {strides = array<i32>} : memref<4096xf32, #tpu.memory_space<vmem>>, vector<16xf32>,
        %all_reduce_population_count3A_389 = tpu.all_reduce %gt3A_376 {dim = 0 : i64, kind = #tpu.reduction_kind<sum>} : vector<16xi1> -> vector<16xi32>
        %add3A_390 = arith.addi %add3A_357, %all_reduce_population_count3A_389 : vector<16xi32>
        %bitcast_convert_type3A_391 = tpu.bitcast %and3A_374 : vector<16xi32> -> vector<16xf32>
        %jit3A_392 = arith.constant 0.000000e+00 : f32
        %broadcast_in_dim3A_393 = vector.broadcast %jit3A_392 : f32 to vector<16xf32>
        %select_n3A_394 = arith.select %gt3A_376, %bitcast_convert_type3A_391, %broadcast_in_dim3A_393 : vector<16xi1>, vector<16xf32>
        %add3A_395 = arith.addf %add3A_362, %select_n3A_394 : vector<16xf32>
        %mul3A_396 = arith.constant 8 : i32
        %mul3A_397 = arith.muli %scan3A_264, %mul3A_396 : i32
        %add3A_398 = arith.constant 4 : i32
        %add3A_399 = arith.addi %mul3A_397, %add3A_398 : i32
        %mul3A_400 = arith.constant 16 : i32
        %mul3A_401 = arith.muli %add3A_399, %mul3A_400 : i32
        %get3A_402 = arith.index_cast %mul3A_401 : i32 to index
        %get3A_403 = tpu.vector_load %arg9[%get3A_402] {strides = array<i32>} : memref<4096xf32, #tpu.memory_space<vmem>>, vector<16xf32>,
        %bitcast_convert_type3A_404 = tpu.bitcast %get3A_403 : vector<16xf32> -> vector<16xi32>
        %and3A_405 = arith.constant 2147483647 : i32
        %and3A_406 = vector.broadcast %and3A_405 : i32 to vector<16xi32>
        %and3A_407 = arith.andi %bitcast_convert_type3A_404, %and3A_406 : vector<16xi32>
        %gt3A_408 = vector.broadcast %scan3A_82#0 : i32 to vector<16xi32>
        %gt3A_409 = arith.cmpi sgt, %and3A_407, %gt3A_408 : vector<16xi32>
        %jit3A_410 = arith.constant 1.000000e+00 : f32
        %jit3A_411 = arith.constant 0.000000e+00 : f32
        %broadcast_in_dim3A_412 = vector.broadcast %jit3A_410 : f32 to vector<16xf32>
        %broadcast_in_dim3A_413 = vector.broadcast %jit3A_411 : f32 to vector<16xf32>
        %select_n3A_414 = arith.select %gt3A_409, %broadcast_in_dim3A_412, %broadcast_in_dim3A_413 : vector<16xi1>, vector<16xf32>
        %swap3A_415 = arith.index_cast %mul3A_401 : i32 to index
        %swap3A_416 = tpu.vector_load %arg14[%swap3A_415] {strides = array<i32>} : memref<4096xf32, #tpu.memory_space<vmem>>, vector<16xf32>,
        tpu.vector_store %arg14[%swap3A_415], %select_n3A_414 {strides = array<i32>} : memref<4096xf32, #tpu.memory_space<vmem>>, vector<16xf32>,
        %jit3A_417 = arith.constant 0.000000e+00 : f32
        %broadcast_in_dim3A_418 = vector.broadcast %jit3A_417 : f32 to vector<16xf32>
        %select_n3A_419 = arith.select %gt3A_409, %get3A_403, %broadcast_in_dim3A_418 : vector<16xi1>, vector<16xf32>
        %swap3A_420 = arith.index_cast %mul3A_401 : i32 to index
        %swap3A_421 = tpu.vector_load %arg12[%swap3A_420] {strides = array<i32>} : memref<4096xf32, #tpu.memory_space<vmem>>, vector<16xf32>,
        tpu.vector_store %arg12[%swap3A_420], %select_n3A_419 {strides = array<i32>} : memref<4096xf32, #tpu.memory_space<vmem>>, vector<16xf32>,
        %all_reduce_population_count3A_422 = tpu.all_reduce %gt3A_409 {dim = 0 : i64, kind = #tpu.reduction_kind<sum>} : vector<16xi1> -> vector<16xi32>
        %add3A_423 = arith.addi %add3A_390, %all_reduce_population_count3A_422 : vector<16xi32>
        %bitcast_convert_type3A_424 = tpu.bitcast %and3A_407 : vector<16xi32> -> vector<16xf32>
        %jit3A_425 = arith.constant 0.000000e+00 : f32
        %broadcast_in_dim3A_426 = vector.broadcast %jit3A_425 : f32 to vector<16xf32>
        %select_n3A_427 = arith.select %gt3A_409, %bitcast_convert_type3A_424, %broadcast_in_dim3A_426 : vector<16xi1>, vector<16xf32>
        %add3A_428 = arith.addf %add3A_395, %select_n3A_427 : vector<16xf32>
        %mul3A_429 = arith.constant 8 : i32
        %mul3A_430 = arith.muli %scan3A_264, %mul3A_429 : i32
        %add3A_431 = arith.constant 5 : i32
        %add3A_432 = arith.addi %mul3A_430, %add3A_431 : i32
        %mul3A_433 = arith.constant 16 : i32
        %mul3A_434 = arith.muli %add3A_432, %mul3A_433 : i32
        %get3A_435 = arith.index_cast %mul3A_434 : i32 to index
        %get3A_436 = tpu.vector_load %arg9[%get3A_435] {strides = array<i32>} : memref<4096xf32, #tpu.memory_space<vmem>>, vector<16xf32>,
        %bitcast_convert_type3A_437 = tpu.bitcast %get3A_436 : vector<16xf32> -> vector<16xi32>
        %and3A_438 = arith.constant 2147483647 : i32
        %and3A_439 = vector.broadcast %and3A_438 : i32 to vector<16xi32>
        %and3A_440 = arith.andi %bitcast_convert_type3A_437, %and3A_439 : vector<16xi32>
        %gt3A_441 = vector.broadcast %scan3A_82#0 : i32 to vector<16xi32>
        %gt3A_442 = arith.cmpi sgt, %and3A_440, %gt3A_441 : vector<16xi32>
        %jit3A_443 = arith.constant 1.000000e+00 : f32
        %jit3A_444 = arith.constant 0.000000e+00 : f32
        %broadcast_in_dim3A_445 = vector.broadcast %jit3A_443 : f32 to vector<16xf32>
        %broadcast_in_dim3A_446 = vector.broadcast %jit3A_444 : f32 to vector<16xf32>
        %select_n3A_447 = arith.select %gt3A_442, %broadcast_in_dim3A_445, %broadcast_in_dim3A_446 : vector<16xi1>, vector<16xf32>
        %swap3A_448 = arith.index_cast %mul3A_434 : i32 to index
        %swap3A_449 = tpu.vector_load %arg14[%swap3A_448] {strides = array<i32>} : memref<4096xf32, #tpu.memory_space<vmem>>, vector<16xf32>,
        tpu.vector_store %arg14[%swap3A_448], %select_n3A_447 {strides = array<i32>} : memref<4096xf32, #tpu.memory_space<vmem>>, vector<16xf32>,
        %jit3A_450 = arith.constant 0.000000e+00 : f32
        %broadcast_in_dim3A_451 = vector.broadcast %jit3A_450 : f32 to vector<16xf32>
        %select_n3A_452 = arith.select %gt3A_442, %get3A_436, %broadcast_in_dim3A_451 : vector<16xi1>, vector<16xf32>
        %swap3A_453 = arith.index_cast %mul3A_434 : i32 to index
        %swap3A_454 = tpu.vector_load %arg12[%swap3A_453] {strides = array<i32>} : memref<4096xf32, #tpu.memory_space<vmem>>, vector<16xf32>,
        tpu.vector_store %arg12[%swap3A_453], %select_n3A_452 {strides = array<i32>} : memref<4096xf32, #tpu.memory_space<vmem>>, vector<16xf32>,
        %all_reduce_population_count3A_455 = tpu.all_reduce %gt3A_442 {dim = 0 : i64, kind = #tpu.reduction_kind<sum>} : vector<16xi1> -> vector<16xi32>
        %add3A_456 = arith.addi %add3A_423, %all_reduce_population_count3A_455 : vector<16xi32>
        %bitcast_convert_type3A_457 = tpu.bitcast %and3A_440 : vector<16xi32> -> vector<16xf32>
        %jit3A_458 = arith.constant 0.000000e+00 : f32
        %broadcast_in_dim3A_459 = vector.broadcast %jit3A_458 : f32 to vector<16xf32>
        %select_n3A_460 = arith.select %gt3A_442, %bitcast_convert_type3A_457, %broadcast_in_dim3A_459 : vector<16xi1>, vector<16xf32>
        %add3A_461 = arith.addf %add3A_428, %select_n3A_460 : vector<16xf32>
        %mul3A_462 = arith.constant 8 : i32
        %mul3A_463 = arith.muli %scan3A_264, %mul3A_462 : i32
        %add3A_464 = arith.constant 6 : i32
        %add3A_465 = arith.addi %mul3A_463, %add3A_464 : i32
        %mul3A_466 = arith.constant 16 : i32
        %mul3A_467 = arith.muli %add3A_465, %mul3A_466 : i32
        %get3A_468 = arith.index_cast %mul3A_467 : i32 to index
        %get3A_469 = tpu.vector_load %arg9[%get3A_468] {strides = array<i32>} : memref<4096xf32, #tpu.memory_space<vmem>>, vector<16xf32>,
        %bitcast_convert_type3A_470 = tpu.bitcast %get3A_469 : vector<16xf32> -> vector<16xi32>
        %and3A_471 = arith.constant 2147483647 : i32
        %and3A_472 = vector.broadcast %and3A_471 : i32 to vector<16xi32>
        %and3A_473 = arith.andi %bitcast_convert_type3A_470, %and3A_472 : vector<16xi32>
        %gt3A_474 = vector.broadcast %scan3A_82#0 : i32 to vector<16xi32>
        %gt3A_475 = arith.cmpi sgt, %and3A_473, %gt3A_474 : vector<16xi32>
        %jit3A_476 = arith.constant 1.000000e+00 : f32
        %jit3A_477 = arith.constant 0.000000e+00 : f32
        %broadcast_in_dim3A_478 = vector.broadcast %jit3A_476 : f32 to vector<16xf32>
        %broadcast_in_dim3A_479 = vector.broadcast %jit3A_477 : f32 to vector<16xf32>
        %select_n3A_480 = arith.select %gt3A_475, %broadcast_in_dim3A_478, %broadcast_in_dim3A_479 : vector<16xi1>, vector<16xf32>
        %swap3A_481 = arith.index_cast %mul3A_467 : i32 to index
        %swap3A_482 = tpu.vector_load %arg14[%swap3A_481] {strides = array<i32>} : memref<4096xf32, #tpu.memory_space<vmem>>, vector<16xf32>,
        tpu.vector_store %arg14[%swap3A_481], %select_n3A_480 {strides = array<i32>} : memref<4096xf32, #tpu.memory_space<vmem>>, vector<16xf32>,
        %jit3A_483 = arith.constant 0.000000e+00 : f32
        %broadcast_in_dim3A_484 = vector.broadcast %jit3A_483 : f32 to vector<16xf32>
        %select_n3A_485 = arith.select %gt3A_475, %get3A_469, %broadcast_in_dim3A_484 : vector<16xi1>, vector<16xf32>
        %swap3A_486 = arith.index_cast %mul3A_467 : i32 to index
        %swap3A_487 = tpu.vector_load %arg12[%swap3A_486] {strides = array<i32>} : memref<4096xf32, #tpu.memory_space<vmem>>, vector<16xf32>,
        tpu.vector_store %arg12[%swap3A_486], %select_n3A_485 {strides = array<i32>} : memref<4096xf32, #tpu.memory_space<vmem>>, vector<16xf32>,
        %all_reduce_population_count3A_488 = tpu.all_reduce %gt3A_475 {dim = 0 : i64, kind = #tpu.reduction_kind<sum>} : vector<16xi1> -> vector<16xi32>
        %add3A_489 = arith.addi %add3A_456, %all_reduce_population_count3A_488 : vector<16xi32>
        %bitcast_convert_type3A_490 = tpu.bitcast %and3A_473 : vector<16xi32> -> vector<16xf32>
        %jit3A_491 = arith.constant 0.000000e+00 : f32
        %broadcast_in_dim3A_492 = vector.broadcast %jit3A_491 : f32 to vector<16xf32>
        %select_n3A_493 = arith.select %gt3A_475, %bitcast_convert_type3A_490, %broadcast_in_dim3A_492 : vector<16xi1>, vector<16xf32>
        %add3A_494 = arith.addf %add3A_461, %select_n3A_493 : vector<16xf32>
        %mul3A_495 = arith.constant 8 : i32
        %mul3A_496 = arith.muli %scan3A_264, %mul3A_495 : i32
        %add3A_497 = arith.constant 7 : i32
        %add3A_498 = arith.addi %mul3A_496, %add3A_497 : i32
        %mul3A_499 = arith.constant 16 : i32
        %mul3A_500 = arith.muli %add3A_498, %mul3A_499 : i32
        %get3A_501 = arith.index_cast %mul3A_500 : i32 to index
        %get3A_502 = tpu.vector_load %arg9[%get3A_501] {strides = array<i32>} : memref<4096xf32, #tpu.memory_space<vmem>>, vector<16xf32>,
        %bitcast_convert_type3A_503 = tpu.bitcast %get3A_502 : vector<16xf32> -> vector<16xi32>
        %and3A_504 = arith.constant 2147483647 : i32
        %and3A_505 = vector.broadcast %and3A_504 : i32 to vector<16xi32>
        %and3A_506 = arith.andi %bitcast_convert_type3A_503, %and3A_505 : vector<16xi32>
        %gt3A_507 = vector.broadcast %scan3A_82#0 : i32 to vector<16xi32>
        %gt3A_508 = arith.cmpi sgt, %and3A_506, %gt3A_507 : vector<16xi32>
        %jit3A_509 = arith.constant 1.000000e+00 : f32
        %jit3A_510 = arith.constant 0.000000e+00 : f32
        %broadcast_in_dim3A_511 = vector.broadcast %jit3A_509 : f32 to vector<16xf32>
        %broadcast_in_dim3A_512 = vector.broadcast %jit3A_510 : f32 to vector<16xf32>
        %select_n3A_513 = arith.select %gt3A_508, %broadcast_in_dim3A_511, %broadcast_in_dim3A_512 : vector<16xi1>, vector<16xf32>
        %swap3A_514 = arith.index_cast %mul3A_500 : i32 to index
        %swap3A_515 = tpu.vector_load %arg14[%swap3A_514] {strides = array<i32>} : memref<4096xf32, #tpu.memory_space<vmem>>, vector<16xf32>,
        tpu.vector_store %arg14[%swap3A_514], %select_n3A_513 {strides = array<i32>} : memref<4096xf32, #tpu.memory_space<vmem>>, vector<16xf32>,
        %jit3A_516 = arith.constant 0.000000e+00 : f32
        %broadcast_in_dim3A_517 = vector.broadcast %jit3A_516 : f32 to vector<16xf32>
        %select_n3A_518 = arith.select %gt3A_508, %get3A_502, %broadcast_in_dim3A_517 : vector<16xi1>, vector<16xf32>
        %swap3A_519 = arith.index_cast %mul3A_500 : i32 to index
        %swap3A_520 = tpu.vector_load %arg12[%swap3A_519] {strides = array<i32>} : memref<4096xf32, #tpu.memory_space<vmem>>, vector<16xf32>,
        tpu.vector_store %arg12[%swap3A_519], %select_n3A_518 {strides = array<i32>} : memref<4096xf32, #tpu.memory_space<vmem>>, vector<16xf32>,
        %all_reduce_population_count3A_521 = tpu.all_reduce %gt3A_508 {dim = 0 : i64, kind = #tpu.reduction_kind<sum>} : vector<16xi1> -> vector<16xi32>
        %add3A_522 = arith.addi %add3A_489, %all_reduce_population_count3A_521 : vector<16xi32>
        %bitcast_convert_type3A_523 = tpu.bitcast %and3A_506 : vector<16xi32> -> vector<16xf32>
        %jit3A_524 = arith.constant 0.000000e+00 : f32
        %broadcast_in_dim3A_525 = vector.broadcast %jit3A_524 : f32 to vector<16xf32>
        %select_n3A_526 = arith.select %gt3A_508, %bitcast_convert_type3A_523, %broadcast_in_dim3A_525 : vector<16xi1>, vector<16xf32>
        %add3A_527 = arith.addf %add3A_494, %select_n3A_526 : vector<16xf32>
        scf.yield %add3A_522, %add3A_527 : vector<16xi32>, vector<16xf32>
      }
      %scan3A_97 = arith.constant 32 : i32
      %dma_start3A_98 = arith.constant 0 : i32
      %dma_start3A_99 = tpu.memref_slice %arg4[%add3A_68, %dma_start3A_98] : memref<8192x4096xf32, #tpu.memory_space<hbm>> -> memref<1x4096xf32, #tpu.memory_space<hbm>>
      %dma_start3A_100 = tpu.memref_squeeze %dma_start3A_99 : memref<1x4096xf32, #tpu.memory_space<hbm>> -> memref<4096xf32, #tpu.memory_space<hbm>>
      %dma_start3A_101 = arith.constant 0 : i32
      %dma_start3A_102 = tpu.memref_slice %arg4[%add3A_68, %dma_start3A_101] : memref<8192x4096xf32, #tpu.memory_space<hbm>> -> memref<1x4096xf32, #tpu.memory_space<hbm>>
      %dma_start3A_103 = tpu.memref_squeeze %dma_start3A_102 : memref<1x4096xf32, #tpu.memory_space<hbm>> -> memref<4096xf32, #tpu.memory_space<hbm>>
      tpu.enqueue_dma source(%arg12 : memref<4096xf32, #tpu.memory_space<vmem>>) target(%dma_start3A_103 : memref<4096xf32, #tpu.memory_space<hbm>>) target_semaphore(%arg20 : memref<!tpu.dma_semaphore, #tpu.memory_space<semaphore_mem>>)
      %dma_start3A_104 = arith.constant 0 : i32
      %dma_start3A_105 = tpu.memref_slice %arg5[%add3A_68, %dma_start3A_104] : memref<8192x4096xf32, #tpu.memory_space<hbm>> -> memref<1x4096xf32, #tpu.memory_space<hbm>>
      %dma_start3A_106 = tpu.memref_squeeze %dma_start3A_105 : memref<1x4096xf32, #tpu.memory_space<hbm>> -> memref<4096xf32, #tpu.memory_space<hbm>>
      %dma_start3A_107 = arith.constant 0 : i32
      %dma_start3A_108 = tpu.memref_slice %arg5[%add3A_68, %dma_start3A_107] : memref<8192x4096xf32, #tpu.memory_space<hbm>> -> memref<1x4096xf32, #tpu.memory_space<hbm>>
      %dma_start3A_109 = tpu.memref_squeeze %dma_start3A_108 : memref<1x4096xf32, #tpu.memory_space<hbm>> -> memref<4096xf32, #tpu.memory_space<hbm>>
      tpu.enqueue_dma source(%arg14 : memref<4096xf32, #tpu.memory_space<vmem>>) target(%dma_start3A_109 : memref<4096xf32, #tpu.memory_space<hbm>>) target_semaphore(%arg20 : memref<!tpu.dma_semaphore, #tpu.memory_space<semaphore_mem>>)
      %convert_element_type3A_110 = arith.sitofp %scan3A_96#0 : vector<16xi32> to vector<16xf32>
      %mul3A_111 = arith.constant 2.44140625E-4 : f32
      %mul3A_112 = vector.broadcast %mul3A_111 : f32 to vector<16xf32>
      %mul3A_113 = arith.mulf %convert_element_type3A_110, %mul3A_112 : vector<16xf32>
      %iota3A_114 = tpu.iota {dimensions = array<i32: 0>} : vector<16xi32>
      %jit3A = arith.constant 16 : i32
      %eq3A = arith.constant 0 : i32
      %eq3A_115 = arith.cmpi eq, %jit3A, %eq3A : i32
      %jit3A_116 = arith.constant 1 : i32
      %select_n3A = arith.select %eq3A_115, %jit3A_116, %jit3A : i32
      %rem3A = arith.remsi %mul3A_63, %select_n3A : i32
      %ne3A = arith.constant 0 : i32
      %ne3A_117 = arith.cmpi ne, %rem3A, %ne3A : i32
      %lt3A_118 = arith.constant 0 : i32
      %lt3A_119 = arith.cmpi slt, %rem3A, %lt3A_118 : i32
      %lt3A_120 = arith.constant 0 : i32
      %lt3A_121 = arith.cmpi slt, %select_n3A, %lt3A_120 : i32
      %ne3A_122 = arith.xori %lt3A_119, %lt3A_121 : i1
      %and3A = arith.andi %ne3A_122, %ne3A_117 : i1
      %add3A_123 = arith.addi %rem3A, %select_n3A : i32
      %select_n3A_124 = arith.select %and3A, %add3A_123, %rem3A : i32
      %eq3A_125 = vector.broadcast %select_n3A_124 : i32 to vector<16xi32>
      %eq3A_126 = arith.cmpi eq, %iota3A_114, %eq3A_125 : vector<16xi32>
      %jit3A_127 = arith.constant 0.000000e+00 : f32
      %broadcast_in_dim3A_128 = vector.broadcast %jit3A_127 : f32 to vector<16xf32>
      %select_n3A_129 = arith.select %eq3A_126, %mul3A_113, %broadcast_in_dim3A_128 : vector<16xi1>, vector<16xf32>
      %add3A_130 = arith.addf %scan3A_61, %select_n3A_129 : vector<16xf32>
      %jit3A_131 = arith.constant 16 : i32
      %eq3A_132 = arith.constant 0 : i32
      %eq3A_133 = arith.cmpi eq, %jit3A_131, %eq3A_132 : i32
      %jit3A_134 = arith.constant 1 : i32
      %select_n3A_135 = arith.select %eq3A_133, %jit3A_134, %jit3A_131 : i32
      %rem3A_136 = arith.remsi %mul3A_63, %select_n3A_135 : i32
      %ne3A_137 = arith.constant 0 : i32
      %ne3A_138 = arith.cmpi ne, %rem3A_136, %ne3A_137 : i32
      %lt3A_139 = arith.constant 0 : i32
      %lt3A_140 = arith.cmpi slt, %rem3A_136, %lt3A_139 : i32
      %lt3A_141 = arith.constant 0 : i32
      %lt3A_142 = arith.cmpi slt, %select_n3A_135, %lt3A_141 : i32
      %ne3A_143 = arith.xori %lt3A_140, %lt3A_142 : i1
      %and3A_144 = arith.andi %ne3A_143, %ne3A_138 : i1
      %add3A_145 = arith.addi %rem3A_136, %select_n3A_135 : i32
      %select_n3A_146 = arith.select %and3A_144, %add3A_145, %rem3A_136 : i32
      %eq3A_147 = arith.constant 15 : i32
      %eq3A_148 = arith.cmpi eq, %select_n3A_146, %eq3A_147 : i32
      %convert_element_type3A_149 = arith.extui %eq3A_148 : i1 to i32
      %cond3A_150 = arith.constant 0 : i32
      %cond3A_151 = arith.cmpi ne, %convert_element_type3A_149, %cond3A_150 : i32
      scf.if %cond3A_151 {
        %sub3A_264 = arith.constant 15 : i32
        %sub3A_265 = arith.subi %mul3A_63, %sub3A_264 : i32
        %swap3A_266 = arith.index_cast %sub3A_265 : i32 to index
        %swap3A_267 = tpu.vector_load %arg16[%swap3A_266] {strides = array<i32>} : memref<256xf32, #tpu.memory_space<vmem>>, vector<16xf32>,
        tpu.vector_store %arg16[%swap3A_266], %add3A_130 {strides = array<i32>} : memref<256xf32, #tpu.memory_space<vmem>>, vector<16xf32>,
      } else {
      }
      %broadcast_in_dim3A_152 = arith.constant 0.000000e+00 : f32
      %broadcast_in_dim3A_153 = vector.broadcast %broadcast_in_dim3A_152 : f32 to vector<16xf32>
      %select_n3A_154 = arith.select %eq3A_148, %broadcast_in_dim3A_153, %add3A_130 : vector<16xf32>
      %add3A_155 = arith.addf %scan3A_60, %scan3A_96#1 : vector<16xf32>
      %add3A_156 = arith.constant 2 : i32
      %add3A_157 = arith.addi %mul3A_63, %add3A_156 : i32
      %lt3A_158 = arith.constant 256 : i32
      %lt3A_159 = arith.cmpi slt, %add3A_157, %lt3A_158 : i32
      %convert_element_type3A_160 = arith.extui %lt3A_159 : i1 to i32
      %cond3A_161 = arith.constant 0 : i32
      %cond3A_162 = arith.cmpi ne, %convert_element_type3A_160, %cond3A_161 : i32
      scf.if %cond3A_162 {
        %add3A_264 = arith.constant 2 : i32
        %add3A_265 = arith.addi %mul3A_63, %add3A_264 : i32
        %add3A_266 = arith.addi %mul3A_2, %add3A_265 : i32
        %dma_start3A_267 = arith.constant 0 : i32
        %dma_start3A_268 = tpu.memref_slice %arg2[%add3A_266, %dma_start3A_267] : memref<8192x4096xf32, #tpu.memory_space<hbm>> -> memref<1x4096xf32, #tpu.memory_space<hbm>>
        %dma_start3A_269 = tpu.memref_squeeze %dma_start3A_268 : memref<1x4096xf32, #tpu.memory_space<hbm>> -> memref<4096xf32, #tpu.memory_space<hbm>>
        %dma_start3A_270 = arith.constant 0 : i32
        %dma_start3A_271 = tpu.memref_slice %arg2[%add3A_266, %dma_start3A_270] : memref<8192x4096xf32, #tpu.memory_space<hbm>> -> memref<1x4096xf32, #tpu.memory_space<hbm>>
        %dma_start3A_272 = tpu.memref_squeeze %dma_start3A_271 : memref<1x4096xf32, #tpu.memory_space<hbm>> -> memref<4096xf32, #tpu.memory_space<hbm>>
        tpu.enqueue_dma source(%dma_start3A_272 : memref<4096xf32, #tpu.memory_space<hbm>>) target(%arg9 : memref<4096xf32, #tpu.memory_space<vmem>>) target_semaphore(%arg18 : memref<!tpu.dma_semaphore, #tpu.memory_space<semaphore_mem>>)
      } else {
      }
      %add3A_163 = arith.constant 1 : i32
      %add3A_164 = arith.addi %mul3A_63, %add3A_163 : i32
      %add3A_165 = arith.addi %mul3A_2, %add3A_164 : i32
      %dma_wait3A_166 = arith.constant 0 : i32
      %dma_wait3A_167 = tpu.memref_slice %arg2[%add3A_165, %dma_wait3A_166] : memref<8192x4096xf32, #tpu.memory_space<hbm>> -> memref<1x4096xf32, #tpu.memory_space<hbm>>
      %dma_wait3A_168 = tpu.memref_squeeze %dma_wait3A_167 : memref<1x4096xf32, #tpu.memory_space<hbm>> -> memref<4096xf32, #tpu.memory_space<hbm>>
      %dma_wait3A_169 = arith.constant 0 : i32
      %dma_wait3A_170 = tpu.memref_slice %arg2[%add3A_165, %dma_wait3A_169] : memref<8192x4096xf32, #tpu.memory_space<hbm>> -> memref<1x4096xf32, #tpu.memory_space<hbm>>
      %dma_wait3A_171 = tpu.memref_squeeze %dma_wait3A_170 : memref<1x4096xf32, #tpu.memory_space<hbm>> -> memref<4096xf32, #tpu.memory_space<hbm>>
      tpu.wait_dma2 semaphore(%arg19 : memref<!tpu.dma_semaphore, #tpu.memory_space<semaphore_mem>>) src(%dma_wait3A_171 : memref<4096xf32, #tpu.memory_space<hbm>>) dst(%arg10 : memref<4096xf32, #tpu.memory_space<vmem>>)
      %get3A_172 = arith.index_cast %add3A_164 : i32 to index
      %get3A_173 = tpu.vector_load %arg8[%get3A_172] {strides = array<i32>} : memref<272xi32, #tpu.memory_space<vmem>>, vector<16xi32>,
      %slice3A_174 = vector.extract_strided_slice %get3A_173 {offsets = [0], sizes = [1], strides = [1]} : vector<16xi32> to vector<1xi32>
      %squeeze3A_175 = vector.extract %slice3A_174[0] : i32 from vector<1xi32>
      %iota3A_176 = tpu.iota {dimensions = array<i32: 0>} : vector<16xi32>
      %scan3A_177 = arith.constant 0 : i32
      %scan3A_178 = arith.constant 2139095039 : i32
      %scan3A_179 = arith.constant 0 : i32
      %scan3A_180 = arith.constant 31 : i32
      %scan3A_181 = arith.addi %scan3A_179, %scan3A_180 : i32
      %scan3A_182 = arith.constant 1 : i32
      %scan3A_183:2 = scf.for %scan3A_264 = %scan3A_179 to %scan3A_181 step %scan3A_182 iter_args(%scan3A_265 = %scan3A_177, %scan3A_266 = %scan3A_178) -> (i32, i32)  : i32 {
        %sub3A_267 = arith.subi %scan3A_266, %scan3A_265 : i32
        %shift_right_arithmetic3A = arith.constant 1 : i32
        %shift_right_arithmetic3A_268 = arith.shrsi %sub3A_267, %shift_right_arithmetic3A : i32
        %add3A_269 = arith.addi %scan3A_265, %shift_right_arithmetic3A_268 : i32
        %broadcast_in_dim3A_270 = arith.constant 0 : i32
        %broadcast_in_dim3A_271 = vector.broadcast %broadcast_in_dim3A_270 : i32 to vector<16xi32>
        %scan3A_272 = arith.constant 0 : i32
        %scan3A_273 = arith.constant 32 : i32
        %scan3A_274 = arith.addi %scan3A_272, %scan3A_273 : i32
        %scan3A_275 = arith.constant 1 : i32
        %scan3A_276 = scf.for %scan3A_285 = %scan3A_272 to %scan3A_274 step %scan3A_275 iter_args(%scan3A_286 = %broadcast_in_dim3A_271) -> (vector<16xi32>)  : i32 {
          %mul3A_287 = arith.constant 8 : i32
          %mul3A_288 = arith.muli %scan3A_285, %mul3A_287 : i32
          %add3A_289 = arith.constant 0 : i32
          %add3A_290 = arith.addi %mul3A_288, %add3A_289 : i32
          %mul3A_291 = arith.constant 16 : i32
          %mul3A_292 = arith.muli %add3A_290, %mul3A_291 : i32
          %get3A_293 = arith.index_cast %mul3A_292 : i32 to index
          %get3A_294 = tpu.vector_load %arg10[%get3A_293] {strides = array<i32>} : memref<4096xf32, #tpu.memory_space<vmem>>, vector<16xf32>,
          %bitcast_convert_type3A = tpu.bitcast %get3A_294 : vector<16xf32> -> vector<16xi32>
          %and3A_295 = arith.constant 2147483647 : i32
          %and3A_296 = vector.broadcast %and3A_295 : i32 to vector<16xi32>
          %and3A_297 = arith.andi %bitcast_convert_type3A, %and3A_296 : vector<16xi32>
          %le3A = vector.broadcast %add3A_269 : i32 to vector<16xi32>
          %le3A_298 = arith.cmpi sle, %and3A_297, %le3A : vector<16xi32>
          %all_reduce_population_count3A = tpu.all_reduce %le3A_298 {dim = 0 : i64, kind = #tpu.reduction_kind<sum>} : vector<16xi1> -> vector<16xi32>
          %add3A_299 = arith.addi %scan3A_286, %all_reduce_population_count3A : vector<16xi32>
          %mul3A_300 = arith.constant 8 : i32
          %mul3A_301 = arith.muli %scan3A_285, %mul3A_300 : i32
          %add3A_302 = arith.constant 1 : i32
          %add3A_303 = arith.addi %mul3A_301, %add3A_302 : i32
          %mul3A_304 = arith.constant 16 : i32
          %mul3A_305 = arith.muli %add3A_303, %mul3A_304 : i32
          %get3A_306 = arith.index_cast %mul3A_305 : i32 to index
          %get3A_307 = tpu.vector_load %arg10[%get3A_306] {strides = array<i32>} : memref<4096xf32, #tpu.memory_space<vmem>>, vector<16xf32>,
          %bitcast_convert_type3A_308 = tpu.bitcast %get3A_307 : vector<16xf32> -> vector<16xi32>
          %and3A_309 = arith.constant 2147483647 : i32
          %and3A_310 = vector.broadcast %and3A_309 : i32 to vector<16xi32>
          %and3A_311 = arith.andi %bitcast_convert_type3A_308, %and3A_310 : vector<16xi32>
          %le3A_312 = vector.broadcast %add3A_269 : i32 to vector<16xi32>
          %le3A_313 = arith.cmpi sle, %and3A_311, %le3A_312 : vector<16xi32>
          %all_reduce_population_count3A_314 = tpu.all_reduce %le3A_313 {dim = 0 : i64, kind = #tpu.reduction_kind<sum>} : vector<16xi1> -> vector<16xi32>
          %add3A_315 = arith.addi %add3A_299, %all_reduce_population_count3A_314 : vector<16xi32>
          %mul3A_316 = arith.constant 8 : i32
          %mul3A_317 = arith.muli %scan3A_285, %mul3A_316 : i32
          %add3A_318 = arith.constant 2 : i32
          %add3A_319 = arith.addi %mul3A_317, %add3A_318 : i32
          %mul3A_320 = arith.constant 16 : i32
          %mul3A_321 = arith.muli %add3A_319, %mul3A_320 : i32
          %get3A_322 = arith.index_cast %mul3A_321 : i32 to index
          %get3A_323 = tpu.vector_load %arg10[%get3A_322] {strides = array<i32>} : memref<4096xf32, #tpu.memory_space<vmem>>, vector<16xf32>,
          %bitcast_convert_type3A_324 = tpu.bitcast %get3A_323 : vector<16xf32> -> vector<16xi32>
          %and3A_325 = arith.constant 2147483647 : i32
          %and3A_326 = vector.broadcast %and3A_325 : i32 to vector<16xi32>
          %and3A_327 = arith.andi %bitcast_convert_type3A_324, %and3A_326 : vector<16xi32>
          %le3A_328 = vector.broadcast %add3A_269 : i32 to vector<16xi32>
          %le3A_329 = arith.cmpi sle, %and3A_327, %le3A_328 : vector<16xi32>
          %all_reduce_population_count3A_330 = tpu.all_reduce %le3A_329 {dim = 0 : i64, kind = #tpu.reduction_kind<sum>} : vector<16xi1> -> vector<16xi32>
          %add3A_331 = arith.addi %add3A_315, %all_reduce_population_count3A_330 : vector<16xi32>
          %mul3A_332 = arith.constant 8 : i32
          %mul3A_333 = arith.muli %scan3A_285, %mul3A_332 : i32
          %add3A_334 = arith.constant 3 : i32
          %add3A_335 = arith.addi %mul3A_333, %add3A_334 : i32
          %mul3A_336 = arith.constant 16 : i32
          %mul3A_337 = arith.muli %add3A_335, %mul3A_336 : i32
          %get3A_338 = arith.index_cast %mul3A_337 : i32 to index
          %get3A_339 = tpu.vector_load %arg10[%get3A_338] {strides = array<i32>} : memref<4096xf32, #tpu.memory_space<vmem>>, vector<16xf32>,
          %bitcast_convert_type3A_340 = tpu.bitcast %get3A_339 : vector<16xf32> -> vector<16xi32>
          %and3A_341 = arith.constant 2147483647 : i32
          %and3A_342 = vector.broadcast %and3A_341 : i32 to vector<16xi32>
          %and3A_343 = arith.andi %bitcast_convert_type3A_340, %and3A_342 : vector<16xi32>
          %le3A_344 = vector.broadcast %add3A_269 : i32 to vector<16xi32>
          %le3A_345 = arith.cmpi sle, %and3A_343, %le3A_344 : vector<16xi32>
          %all_reduce_population_count3A_346 = tpu.all_reduce %le3A_345 {dim = 0 : i64, kind = #tpu.reduction_kind<sum>} : vector<16xi1> -> vector<16xi32>
          %add3A_347 = arith.addi %add3A_331, %all_reduce_population_count3A_346 : vector<16xi32>
          %mul3A_348 = arith.constant 8 : i32
          %mul3A_349 = arith.muli %scan3A_285, %mul3A_348 : i32
          %add3A_350 = arith.constant 4 : i32
          %add3A_351 = arith.addi %mul3A_349, %add3A_350 : i32
          %mul3A_352 = arith.constant 16 : i32
          %mul3A_353 = arith.muli %add3A_351, %mul3A_352 : i32
          %get3A_354 = arith.index_cast %mul3A_353 : i32 to index
          %get3A_355 = tpu.vector_load %arg10[%get3A_354] {strides = array<i32>} : memref<4096xf32, #tpu.memory_space<vmem>>, vector<16xf32>,
          %bitcast_convert_type3A_356 = tpu.bitcast %get3A_355 : vector<16xf32> -> vector<16xi32>
          %and3A_357 = arith.constant 2147483647 : i32
          %and3A_358 = vector.broadcast %and3A_357 : i32 to vector<16xi32>
          %and3A_359 = arith.andi %bitcast_convert_type3A_356, %and3A_358 : vector<16xi32>
          %le3A_360 = vector.broadcast %add3A_269 : i32 to vector<16xi32>
          %le3A_361 = arith.cmpi sle, %and3A_359, %le3A_360 : vector<16xi32>
          %all_reduce_population_count3A_362 = tpu.all_reduce %le3A_361 {dim = 0 : i64, kind = #tpu.reduction_kind<sum>} : vector<16xi1> -> vector<16xi32>
          %add3A_363 = arith.addi %add3A_347, %all_reduce_population_count3A_362 : vector<16xi32>
          %mul3A_364 = arith.constant 8 : i32
          %mul3A_365 = arith.muli %scan3A_285, %mul3A_364 : i32
          %add3A_366 = arith.constant 5 : i32
          %add3A_367 = arith.addi %mul3A_365, %add3A_366 : i32
          %mul3A_368 = arith.constant 16 : i32
          %mul3A_369 = arith.muli %add3A_367, %mul3A_368 : i32
          %get3A_370 = arith.index_cast %mul3A_369 : i32 to index
          %get3A_371 = tpu.vector_load %arg10[%get3A_370] {strides = array<i32>} : memref<4096xf32, #tpu.memory_space<vmem>>, vector<16xf32>,
          %bitcast_convert_type3A_372 = tpu.bitcast %get3A_371 : vector<16xf32> -> vector<16xi32>
          %and3A_373 = arith.constant 2147483647 : i32
          %and3A_374 = vector.broadcast %and3A_373 : i32 to vector<16xi32>
          %and3A_375 = arith.andi %bitcast_convert_type3A_372, %and3A_374 : vector<16xi32>
          %le3A_376 = vector.broadcast %add3A_269 : i32 to vector<16xi32>
          %le3A_377 = arith.cmpi sle, %and3A_375, %le3A_376 : vector<16xi32>
          %all_reduce_population_count3A_378 = tpu.all_reduce %le3A_377 {dim = 0 : i64, kind = #tpu.reduction_kind<sum>} : vector<16xi1> -> vector<16xi32>
          %add3A_379 = arith.addi %add3A_363, %all_reduce_population_count3A_378 : vector<16xi32>
          %mul3A_380 = arith.constant 8 : i32
          %mul3A_381 = arith.muli %scan3A_285, %mul3A_380 : i32
          %add3A_382 = arith.constant 6 : i32
          %add3A_383 = arith.addi %mul3A_381, %add3A_382 : i32
          %mul3A_384 = arith.constant 16 : i32
          %mul3A_385 = arith.muli %add3A_383, %mul3A_384 : i32
          %get3A_386 = arith.index_cast %mul3A_385 : i32 to index
          %get3A_387 = tpu.vector_load %arg10[%get3A_386] {strides = array<i32>} : memref<4096xf32, #tpu.memory_space<vmem>>, vector<16xf32>,
          %bitcast_convert_type3A_388 = tpu.bitcast %get3A_387 : vector<16xf32> -> vector<16xi32>
          %and3A_389 = arith.constant 2147483647 : i32
          %and3A_390 = vector.broadcast %and3A_389 : i32 to vector<16xi32>
          %and3A_391 = arith.andi %bitcast_convert_type3A_388, %and3A_390 : vector<16xi32>
          %le3A_392 = vector.broadcast %add3A_269 : i32 to vector<16xi32>
          %le3A_393 = arith.cmpi sle, %and3A_391, %le3A_392 : vector<16xi32>
          %all_reduce_population_count3A_394 = tpu.all_reduce %le3A_393 {dim = 0 : i64, kind = #tpu.reduction_kind<sum>} : vector<16xi1> -> vector<16xi32>
          %add3A_395 = arith.addi %add3A_379, %all_reduce_population_count3A_394 : vector<16xi32>
          %mul3A_396 = arith.constant 8 : i32
          %mul3A_397 = arith.muli %scan3A_285, %mul3A_396 : i32
          %add3A_398 = arith.constant 7 : i32
          %add3A_399 = arith.addi %mul3A_397, %add3A_398 : i32
          %mul3A_400 = arith.constant 16 : i32
          %mul3A_401 = arith.muli %add3A_399, %mul3A_400 : i32
          %get3A_402 = arith.index_cast %mul3A_401 : i32 to index
          %get3A_403 = tpu.vector_load %arg10[%get3A_402] {strides = array<i32>} : memref<4096xf32, #tpu.memory_space<vmem>>, vector<16xf32>,
          %bitcast_convert_type3A_404 = tpu.bitcast %get3A_403 : vector<16xf32> -> vector<16xi32>
          %and3A_405 = arith.constant 2147483647 : i32
          %and3A_406 = vector.broadcast %and3A_405 : i32 to vector<16xi32>
          %and3A_407 = arith.andi %bitcast_convert_type3A_404, %and3A_406 : vector<16xi32>
          %le3A_408 = vector.broadcast %add3A_269 : i32 to vector<16xi32>
          %le3A_409 = arith.cmpi sle, %and3A_407, %le3A_408 : vector<16xi32>
          %all_reduce_population_count3A_410 = tpu.all_reduce %le3A_409 {dim = 0 : i64, kind = #tpu.reduction_kind<sum>} : vector<16xi1> -> vector<16xi32>
          %add3A_411 = arith.addi %add3A_395, %all_reduce_population_count3A_410 : vector<16xi32>
          scf.yield %add3A_411 : vector<16xi32>
        }
        %scan3A_277 = arith.constant 32 : i32
        %slice3A_278 = vector.extract_strided_slice %scan3A_276 {offsets = [0], sizes = [1], strides = [1]} : vector<16xi32> to vector<1xi32>
        %squeeze3A_279 = vector.extract %slice3A_278[0] : i32 from vector<1xi32>
        %ge3A_280 = arith.cmpi sge, %squeeze3A_279, %squeeze3A_175 : i32
        %add3A_281 = arith.constant 1 : i32
        %add3A_282 = arith.addi %add3A_269, %add3A_281 : i32
        %select_n3A_283 = arith.select %ge3A_280, %scan3A_265, %add3A_282 : i32
        %select_n3A_284 = arith.select %ge3A_280, %add3A_269, %scan3A_266 : i32
        scf.yield %select_n3A_283, %select_n3A_284 : i32, i32
      }
      %scan3A_184 = arith.constant 31 : i32
      %ge3A_185 = arith.constant 2 : i32
      %ge3A_186 = arith.cmpi sge, %add3A_164, %ge3A_185 : i32
      %convert_element_type3A_187 = arith.extui %ge3A_186 : i1 to i32
      %cond3A_188 = arith.constant 0 : i32
      %cond3A_189 = arith.cmpi ne, %convert_element_type3A_187, %cond3A_188 : i32
      scf.if %cond3A_189 {
        %sub3A_264 = arith.constant 2 : i32
        %sub3A_265 = arith.subi %add3A_165, %sub3A_264 : i32
        %dma_wait3A_266 = arith.constant 0 : i32
        %dma_wait3A_267 = tpu.memref_slice %arg4[%sub3A_265, %dma_wait3A_266] : memref<8192x4096xf32, #tpu.memory_space<hbm>> -> memref<1x4096xf32, #tpu.memory_space<hbm>>
        %dma_wait3A_268 = tpu.memref_squeeze %dma_wait3A_267 : memref<1x4096xf32, #tpu.memory_space<hbm>> -> memref<4096xf32, #tpu.memory_space<hbm>>
        %dma_wait3A_269 = arith.constant 0 : i32
        %dma_wait3A_270 = tpu.memref_slice %arg4[%sub3A_265, %dma_wait3A_269] : memref<8192x4096xf32, #tpu.memory_space<hbm>> -> memref<1x4096xf32, #tpu.memory_space<hbm>>
        %dma_wait3A_271 = tpu.memref_squeeze %dma_wait3A_270 : memref<1x4096xf32, #tpu.memory_space<hbm>> -> memref<4096xf32, #tpu.memory_space<hbm>>
        tpu.wait_dma2 semaphore(%arg21 : memref<!tpu.dma_semaphore, #tpu.memory_space<semaphore_mem>>) src(%arg13 : memref<4096xf32, #tpu.memory_space<vmem>>) dst(%dma_wait3A_271 : memref<4096xf32, #tpu.memory_space<hbm>>)
        %sub3A_272 = arith.constant 2 : i32
        %sub3A_273 = arith.subi %add3A_165, %sub3A_272 : i32
        %dma_wait3A_274 = arith.constant 0 : i32
        %dma_wait3A_275 = tpu.memref_slice %arg5[%sub3A_273, %dma_wait3A_274] : memref<8192x4096xf32, #tpu.memory_space<hbm>> -> memref<1x4096xf32, #tpu.memory_space<hbm>>
        %dma_wait3A_276 = tpu.memref_squeeze %dma_wait3A_275 : memref<1x4096xf32, #tpu.memory_space<hbm>> -> memref<4096xf32, #tpu.memory_space<hbm>>
        %dma_wait3A_277 = arith.constant 0 : i32
        %dma_wait3A_278 = tpu.memref_slice %arg5[%sub3A_273, %dma_wait3A_277] : memref<8192x4096xf32, #tpu.memory_space<hbm>> -> memref<1x4096xf32, #tpu.memory_space<hbm>>
        %dma_wait3A_279 = tpu.memref_squeeze %dma_wait3A_278 : memref<1x4096xf32, #tpu.memory_space<hbm>> -> memref<4096xf32, #tpu.memory_space<hbm>>
        tpu.wait_dma2 semaphore(%arg21 : memref<!tpu.dma_semaphore, #tpu.memory_space<semaphore_mem>>) src(%arg15 : memref<4096xf32, #tpu.memory_space<vmem>>) dst(%dma_wait3A_279 : memref<4096xf32, #tpu.memory_space<hbm>>)
      } else {
      }
      %broadcast_in_dim3A_190 = arith.constant 0 : i32
      %broadcast_in_dim3A_191 = vector.broadcast %broadcast_in_dim3A_190 : i32 to vector<16xi32>
      %broadcast_in_dim3A_192 = arith.constant 0.000000e+00 : f32
      %broadcast_in_dim3A_193 = vector.broadcast %broadcast_in_dim3A_192 : f32 to vector<16xf32>
      %scan3A_194 = arith.constant 0 : i32
      %scan3A_195 = arith.constant 32 : i32
      %scan3A_196 = arith.addi %scan3A_194, %scan3A_195 : i32
      %scan3A_197 = arith.constant 1 : i32
      %scan3A_198:2 = scf.for %scan3A_264 = %scan3A_194 to %scan3A_196 step %scan3A_197 iter_args(%scan3A_265 = %broadcast_in_dim3A_191, %scan3A_266 = %broadcast_in_dim3A_193) -> (vector<16xi32>, vector<16xf32>)  : i32 {
        %mul3A_267 = arith.constant 8 : i32
        %mul3A_268 = arith.muli %scan3A_264, %mul3A_267 : i32
        %add3A_269 = arith.constant 0 : i32
        %add3A_270 = arith.addi %mul3A_268, %add3A_269 : i32
        %mul3A_271 = arith.constant 16 : i32
        %mul3A_272 = arith.muli %add3A_270, %mul3A_271 : i32
        %get3A_273 = arith.index_cast %mul3A_272 : i32 to index
        %get3A_274 = tpu.vector_load %arg10[%get3A_273] {strides = array<i32>} : memref<4096xf32, #tpu.memory_space<vmem>>, vector<16xf32>,
        %bitcast_convert_type3A = tpu.bitcast %get3A_274 : vector<16xf32> -> vector<16xi32>
        %and3A_275 = arith.constant 2147483647 : i32
        %and3A_276 = vector.broadcast %and3A_275 : i32 to vector<16xi32>
        %and3A_277 = arith.andi %bitcast_convert_type3A, %and3A_276 : vector<16xi32>
        %gt3A = vector.broadcast %scan3A_183#0 : i32 to vector<16xi32>
        %gt3A_278 = arith.cmpi sgt, %and3A_277, %gt3A : vector<16xi32>
        %jit3A_279 = arith.constant 1.000000e+00 : f32
        %jit3A_280 = arith.constant 0.000000e+00 : f32
        %broadcast_in_dim3A_281 = vector.broadcast %jit3A_279 : f32 to vector<16xf32>
        %broadcast_in_dim3A_282 = vector.broadcast %jit3A_280 : f32 to vector<16xf32>
        %select_n3A_283 = arith.select %gt3A_278, %broadcast_in_dim3A_281, %broadcast_in_dim3A_282 : vector<16xi1>, vector<16xf32>
        %swap3A_284 = arith.index_cast %mul3A_272 : i32 to index
        %swap3A_285 = tpu.vector_load %arg15[%swap3A_284] {strides = array<i32>} : memref<4096xf32, #tpu.memory_space<vmem>>, vector<16xf32>,
        tpu.vector_store %arg15[%swap3A_284], %select_n3A_283 {strides = array<i32>} : memref<4096xf32, #tpu.memory_space<vmem>>, vector<16xf32>,
        %jit3A_286 = arith.constant 0.000000e+00 : f32
        %broadcast_in_dim3A_287 = vector.broadcast %jit3A_286 : f32 to vector<16xf32>
        %select_n3A_288 = arith.select %gt3A_278, %get3A_274, %broadcast_in_dim3A_287 : vector<16xi1>, vector<16xf32>
        %swap3A_289 = arith.index_cast %mul3A_272 : i32 to index
        %swap3A_290 = tpu.vector_load %arg13[%swap3A_289] {strides = array<i32>} : memref<4096xf32, #tpu.memory_space<vmem>>, vector<16xf32>,
        tpu.vector_store %arg13[%swap3A_289], %select_n3A_288 {strides = array<i32>} : memref<4096xf32, #tpu.memory_space<vmem>>, vector<16xf32>,
        %all_reduce_population_count3A = tpu.all_reduce %gt3A_278 {dim = 0 : i64, kind = #tpu.reduction_kind<sum>} : vector<16xi1> -> vector<16xi32>
        %add3A_291 = arith.addi %scan3A_265, %all_reduce_population_count3A : vector<16xi32>
        %bitcast_convert_type3A_292 = tpu.bitcast %and3A_277 : vector<16xi32> -> vector<16xf32>
        %jit3A_293 = arith.constant 0.000000e+00 : f32
        %broadcast_in_dim3A_294 = vector.broadcast %jit3A_293 : f32 to vector<16xf32>
        %select_n3A_295 = arith.select %gt3A_278, %bitcast_convert_type3A_292, %broadcast_in_dim3A_294 : vector<16xi1>, vector<16xf32>
        %add3A_296 = arith.addf %scan3A_266, %select_n3A_295 : vector<16xf32>
        %mul3A_297 = arith.constant 8 : i32
        %mul3A_298 = arith.muli %scan3A_264, %mul3A_297 : i32
        %add3A_299 = arith.constant 1 : i32
        %add3A_300 = arith.addi %mul3A_298, %add3A_299 : i32
        %mul3A_301 = arith.constant 16 : i32
        %mul3A_302 = arith.muli %add3A_300, %mul3A_301 : i32
        %get3A_303 = arith.index_cast %mul3A_302 : i32 to index
        %get3A_304 = tpu.vector_load %arg10[%get3A_303] {strides = array<i32>} : memref<4096xf32, #tpu.memory_space<vmem>>, vector<16xf32>,
        %bitcast_convert_type3A_305 = tpu.bitcast %get3A_304 : vector<16xf32> -> vector<16xi32>
        %and3A_306 = arith.constant 2147483647 : i32
        %and3A_307 = vector.broadcast %and3A_306 : i32 to vector<16xi32>
        %and3A_308 = arith.andi %bitcast_convert_type3A_305, %and3A_307 : vector<16xi32>
        %gt3A_309 = vector.broadcast %scan3A_183#0 : i32 to vector<16xi32>
        %gt3A_310 = arith.cmpi sgt, %and3A_308, %gt3A_309 : vector<16xi32>
        %jit3A_311 = arith.constant 1.000000e+00 : f32
        %jit3A_312 = arith.constant 0.000000e+00 : f32
        %broadcast_in_dim3A_313 = vector.broadcast %jit3A_311 : f32 to vector<16xf32>
        %broadcast_in_dim3A_314 = vector.broadcast %jit3A_312 : f32 to vector<16xf32>
        %select_n3A_315 = arith.select %gt3A_310, %broadcast_in_dim3A_313, %broadcast_in_dim3A_314 : vector<16xi1>, vector<16xf32>
        %swap3A_316 = arith.index_cast %mul3A_302 : i32 to index
        %swap3A_317 = tpu.vector_load %arg15[%swap3A_316] {strides = array<i32>} : memref<4096xf32, #tpu.memory_space<vmem>>, vector<16xf32>,
        tpu.vector_store %arg15[%swap3A_316], %select_n3A_315 {strides = array<i32>} : memref<4096xf32, #tpu.memory_space<vmem>>, vector<16xf32>,
        %jit3A_318 = arith.constant 0.000000e+00 : f32
        %broadcast_in_dim3A_319 = vector.broadcast %jit3A_318 : f32 to vector<16xf32>
        %select_n3A_320 = arith.select %gt3A_310, %get3A_304, %broadcast_in_dim3A_319 : vector<16xi1>, vector<16xf32>
        %swap3A_321 = arith.index_cast %mul3A_302 : i32 to index
        %swap3A_322 = tpu.vector_load %arg13[%swap3A_321] {strides = array<i32>} : memref<4096xf32, #tpu.memory_space<vmem>>, vector<16xf32>,
        tpu.vector_store %arg13[%swap3A_321], %select_n3A_320 {strides = array<i32>} : memref<4096xf32, #tpu.memory_space<vmem>>, vector<16xf32>,
        %all_reduce_population_count3A_323 = tpu.all_reduce %gt3A_310 {dim = 0 : i64, kind = #tpu.reduction_kind<sum>} : vector<16xi1> -> vector<16xi32>
        %add3A_324 = arith.addi %add3A_291, %all_reduce_population_count3A_323 : vector<16xi32>
        %bitcast_convert_type3A_325 = tpu.bitcast %and3A_308 : vector<16xi32> -> vector<16xf32>
        %jit3A_326 = arith.constant 0.000000e+00 : f32
        %broadcast_in_dim3A_327 = vector.broadcast %jit3A_326 : f32 to vector<16xf32>
        %select_n3A_328 = arith.select %gt3A_310, %bitcast_convert_type3A_325, %broadcast_in_dim3A_327 : vector<16xi1>, vector<16xf32>
        %add3A_329 = arith.addf %add3A_296, %select_n3A_328 : vector<16xf32>
        %mul3A_330 = arith.constant 8 : i32
        %mul3A_331 = arith.muli %scan3A_264, %mul3A_330 : i32
        %add3A_332 = arith.constant 2 : i32
        %add3A_333 = arith.addi %mul3A_331, %add3A_332 : i32
        %mul3A_334 = arith.constant 16 : i32
        %mul3A_335 = arith.muli %add3A_333, %mul3A_334 : i32
        %get3A_336 = arith.index_cast %mul3A_335 : i32 to index
        %get3A_337 = tpu.vector_load %arg10[%get3A_336] {strides = array<i32>} : memref<4096xf32, #tpu.memory_space<vmem>>, vector<16xf32>,
        %bitcast_convert_type3A_338 = tpu.bitcast %get3A_337 : vector<16xf32> -> vector<16xi32>
        %and3A_339 = arith.constant 2147483647 : i32
        %and3A_340 = vector.broadcast %and3A_339 : i32 to vector<16xi32>
        %and3A_341 = arith.andi %bitcast_convert_type3A_338, %and3A_340 : vector<16xi32>
        %gt3A_342 = vector.broadcast %scan3A_183#0 : i32 to vector<16xi32>
        %gt3A_343 = arith.cmpi sgt, %and3A_341, %gt3A_342 : vector<16xi32>
        %jit3A_344 = arith.constant 1.000000e+00 : f32
        %jit3A_345 = arith.constant 0.000000e+00 : f32
        %broadcast_in_dim3A_346 = vector.broadcast %jit3A_344 : f32 to vector<16xf32>
        %broadcast_in_dim3A_347 = vector.broadcast %jit3A_345 : f32 to vector<16xf32>
        %select_n3A_348 = arith.select %gt3A_343, %broadcast_in_dim3A_346, %broadcast_in_dim3A_347 : vector<16xi1>, vector<16xf32>
        %swap3A_349 = arith.index_cast %mul3A_335 : i32 to index
        %swap3A_350 = tpu.vector_load %arg15[%swap3A_349] {strides = array<i32>} : memref<4096xf32, #tpu.memory_space<vmem>>, vector<16xf32>,
        tpu.vector_store %arg15[%swap3A_349], %select_n3A_348 {strides = array<i32>} : memref<4096xf32, #tpu.memory_space<vmem>>, vector<16xf32>,
        %jit3A_351 = arith.constant 0.000000e+00 : f32
        %broadcast_in_dim3A_352 = vector.broadcast %jit3A_351 : f32 to vector<16xf32>
        %select_n3A_353 = arith.select %gt3A_343, %get3A_337, %broadcast_in_dim3A_352 : vector<16xi1>, vector<16xf32>
        %swap3A_354 = arith.index_cast %mul3A_335 : i32 to index
        %swap3A_355 = tpu.vector_load %arg13[%swap3A_354] {strides = array<i32>} : memref<4096xf32, #tpu.memory_space<vmem>>, vector<16xf32>,
        tpu.vector_store %arg13[%swap3A_354], %select_n3A_353 {strides = array<i32>} : memref<4096xf32, #tpu.memory_space<vmem>>, vector<16xf32>,
        %all_reduce_population_count3A_356 = tpu.all_reduce %gt3A_343 {dim = 0 : i64, kind = #tpu.reduction_kind<sum>} : vector<16xi1> -> vector<16xi32>
        %add3A_357 = arith.addi %add3A_324, %all_reduce_population_count3A_356 : vector<16xi32>
        %bitcast_convert_type3A_358 = tpu.bitcast %and3A_341 : vector<16xi32> -> vector<16xf32>
        %jit3A_359 = arith.constant 0.000000e+00 : f32
        %broadcast_in_dim3A_360 = vector.broadcast %jit3A_359 : f32 to vector<16xf32>
        %select_n3A_361 = arith.select %gt3A_343, %bitcast_convert_type3A_358, %broadcast_in_dim3A_360 : vector<16xi1>, vector<16xf32>
        %add3A_362 = arith.addf %add3A_329, %select_n3A_361 : vector<16xf32>
        %mul3A_363 = arith.constant 8 : i32
        %mul3A_364 = arith.muli %scan3A_264, %mul3A_363 : i32
        %add3A_365 = arith.constant 3 : i32
        %add3A_366 = arith.addi %mul3A_364, %add3A_365 : i32
        %mul3A_367 = arith.constant 16 : i32
        %mul3A_368 = arith.muli %add3A_366, %mul3A_367 : i32
        %get3A_369 = arith.index_cast %mul3A_368 : i32 to index
        %get3A_370 = tpu.vector_load %arg10[%get3A_369] {strides = array<i32>} : memref<4096xf32, #tpu.memory_space<vmem>>, vector<16xf32>,
        %bitcast_convert_type3A_371 = tpu.bitcast %get3A_370 : vector<16xf32> -> vector<16xi32>
        %and3A_372 = arith.constant 2147483647 : i32
        %and3A_373 = vector.broadcast %and3A_372 : i32 to vector<16xi32>
        %and3A_374 = arith.andi %bitcast_convert_type3A_371, %and3A_373 : vector<16xi32>
        %gt3A_375 = vector.broadcast %scan3A_183#0 : i32 to vector<16xi32>
        %gt3A_376 = arith.cmpi sgt, %and3A_374, %gt3A_375 : vector<16xi32>
        %jit3A_377 = arith.constant 1.000000e+00 : f32
        %jit3A_378 = arith.constant 0.000000e+00 : f32
        %broadcast_in_dim3A_379 = vector.broadcast %jit3A_377 : f32 to vector<16xf32>
        %broadcast_in_dim3A_380 = vector.broadcast %jit3A_378 : f32 to vector<16xf32>
        %select_n3A_381 = arith.select %gt3A_376, %broadcast_in_dim3A_379, %broadcast_in_dim3A_380 : vector<16xi1>, vector<16xf32>
        %swap3A_382 = arith.index_cast %mul3A_368 : i32 to index
        %swap3A_383 = tpu.vector_load %arg15[%swap3A_382] {strides = array<i32>} : memref<4096xf32, #tpu.memory_space<vmem>>, vector<16xf32>,
        tpu.vector_store %arg15[%swap3A_382], %select_n3A_381 {strides = array<i32>} : memref<4096xf32, #tpu.memory_space<vmem>>, vector<16xf32>,
        %jit3A_384 = arith.constant 0.000000e+00 : f32
        %broadcast_in_dim3A_385 = vector.broadcast %jit3A_384 : f32 to vector<16xf32>
        %select_n3A_386 = arith.select %gt3A_376, %get3A_370, %broadcast_in_dim3A_385 : vector<16xi1>, vector<16xf32>
        %swap3A_387 = arith.index_cast %mul3A_368 : i32 to index
        %swap3A_388 = tpu.vector_load %arg13[%swap3A_387] {strides = array<i32>} : memref<4096xf32, #tpu.memory_space<vmem>>, vector<16xf32>,
        tpu.vector_store %arg13[%swap3A_387], %select_n3A_386 {strides = array<i32>} : memref<4096xf32, #tpu.memory_space<vmem>>, vector<16xf32>,
        %all_reduce_population_count3A_389 = tpu.all_reduce %gt3A_376 {dim = 0 : i64, kind = #tpu.reduction_kind<sum>} : vector<16xi1> -> vector<16xi32>
        %add3A_390 = arith.addi %add3A_357, %all_reduce_population_count3A_389 : vector<16xi32>
        %bitcast_convert_type3A_391 = tpu.bitcast %and3A_374 : vector<16xi32> -> vector<16xf32>
        %jit3A_392 = arith.constant 0.000000e+00 : f32
        %broadcast_in_dim3A_393 = vector.broadcast %jit3A_392 : f32 to vector<16xf32>
        %select_n3A_394 = arith.select %gt3A_376, %bitcast_convert_type3A_391, %broadcast_in_dim3A_393 : vector<16xi1>, vector<16xf32>
        %add3A_395 = arith.addf %add3A_362, %select_n3A_394 : vector<16xf32>
        %mul3A_396 = arith.constant 8 : i32
        %mul3A_397 = arith.muli %scan3A_264, %mul3A_396 : i32
        %add3A_398 = arith.constant 4 : i32
        %add3A_399 = arith.addi %mul3A_397, %add3A_398 : i32
        %mul3A_400 = arith.constant 16 : i32
        %mul3A_401 = arith.muli %add3A_399, %mul3A_400 : i32
        %get3A_402 = arith.index_cast %mul3A_401 : i32 to index
        %get3A_403 = tpu.vector_load %arg10[%get3A_402] {strides = array<i32>} : memref<4096xf32, #tpu.memory_space<vmem>>, vector<16xf32>,
        %bitcast_convert_type3A_404 = tpu.bitcast %get3A_403 : vector<16xf32> -> vector<16xi32>
        %and3A_405 = arith.constant 2147483647 : i32
        %and3A_406 = vector.broadcast %and3A_405 : i32 to vector<16xi32>
        %and3A_407 = arith.andi %bitcast_convert_type3A_404, %and3A_406 : vector<16xi32>
        %gt3A_408 = vector.broadcast %scan3A_183#0 : i32 to vector<16xi32>
        %gt3A_409 = arith.cmpi sgt, %and3A_407, %gt3A_408 : vector<16xi32>
        %jit3A_410 = arith.constant 1.000000e+00 : f32
        %jit3A_411 = arith.constant 0.000000e+00 : f32
        %broadcast_in_dim3A_412 = vector.broadcast %jit3A_410 : f32 to vector<16xf32>
        %broadcast_in_dim3A_413 = vector.broadcast %jit3A_411 : f32 to vector<16xf32>
        %select_n3A_414 = arith.select %gt3A_409, %broadcast_in_dim3A_412, %broadcast_in_dim3A_413 : vector<16xi1>, vector<16xf32>
        %swap3A_415 = arith.index_cast %mul3A_401 : i32 to index
        %swap3A_416 = tpu.vector_load %arg15[%swap3A_415] {strides = array<i32>} : memref<4096xf32, #tpu.memory_space<vmem>>, vector<16xf32>,
        tpu.vector_store %arg15[%swap3A_415], %select_n3A_414 {strides = array<i32>} : memref<4096xf32, #tpu.memory_space<vmem>>, vector<16xf32>,
        %jit3A_417 = arith.constant 0.000000e+00 : f32
        %broadcast_in_dim3A_418 = vector.broadcast %jit3A_417 : f32 to vector<16xf32>
        %select_n3A_419 = arith.select %gt3A_409, %get3A_403, %broadcast_in_dim3A_418 : vector<16xi1>, vector<16xf32>
        %swap3A_420 = arith.index_cast %mul3A_401 : i32 to index
        %swap3A_421 = tpu.vector_load %arg13[%swap3A_420] {strides = array<i32>} : memref<4096xf32, #tpu.memory_space<vmem>>, vector<16xf32>,
        tpu.vector_store %arg13[%swap3A_420], %select_n3A_419 {strides = array<i32>} : memref<4096xf32, #tpu.memory_space<vmem>>, vector<16xf32>,
        %all_reduce_population_count3A_422 = tpu.all_reduce %gt3A_409 {dim = 0 : i64, kind = #tpu.reduction_kind<sum>} : vector<16xi1> -> vector<16xi32>
        %add3A_423 = arith.addi %add3A_390, %all_reduce_population_count3A_422 : vector<16xi32>
        %bitcast_convert_type3A_424 = tpu.bitcast %and3A_407 : vector<16xi32> -> vector<16xf32>
        %jit3A_425 = arith.constant 0.000000e+00 : f32
        %broadcast_in_dim3A_426 = vector.broadcast %jit3A_425 : f32 to vector<16xf32>
        %select_n3A_427 = arith.select %gt3A_409, %bitcast_convert_type3A_424, %broadcast_in_dim3A_426 : vector<16xi1>, vector<16xf32>
        %add3A_428 = arith.addf %add3A_395, %select_n3A_427 : vector<16xf32>
        %mul3A_429 = arith.constant 8 : i32
        %mul3A_430 = arith.muli %scan3A_264, %mul3A_429 : i32
        %add3A_431 = arith.constant 5 : i32
        %add3A_432 = arith.addi %mul3A_430, %add3A_431 : i32
        %mul3A_433 = arith.constant 16 : i32
        %mul3A_434 = arith.muli %add3A_432, %mul3A_433 : i32
        %get3A_435 = arith.index_cast %mul3A_434 : i32 to index
        %get3A_436 = tpu.vector_load %arg10[%get3A_435] {strides = array<i32>} : memref<4096xf32, #tpu.memory_space<vmem>>, vector<16xf32>,
        %bitcast_convert_type3A_437 = tpu.bitcast %get3A_436 : vector<16xf32> -> vector<16xi32>
        %and3A_438 = arith.constant 2147483647 : i32
        %and3A_439 = vector.broadcast %and3A_438 : i32 to vector<16xi32>
        %and3A_440 = arith.andi %bitcast_convert_type3A_437, %and3A_439 : vector<16xi32>
        %gt3A_441 = vector.broadcast %scan3A_183#0 : i32 to vector<16xi32>
        %gt3A_442 = arith.cmpi sgt, %and3A_440, %gt3A_441 : vector<16xi32>
        %jit3A_443 = arith.constant 1.000000e+00 : f32
        %jit3A_444 = arith.constant 0.000000e+00 : f32
        %broadcast_in_dim3A_445 = vector.broadcast %jit3A_443 : f32 to vector<16xf32>
        %broadcast_in_dim3A_446 = vector.broadcast %jit3A_444 : f32 to vector<16xf32>
        %select_n3A_447 = arith.select %gt3A_442, %broadcast_in_dim3A_445, %broadcast_in_dim3A_446 : vector<16xi1>, vector<16xf32>
        %swap3A_448 = arith.index_cast %mul3A_434 : i32 to index
        %swap3A_449 = tpu.vector_load %arg15[%swap3A_448] {strides = array<i32>} : memref<4096xf32, #tpu.memory_space<vmem>>, vector<16xf32>,
        tpu.vector_store %arg15[%swap3A_448], %select_n3A_447 {strides = array<i32>} : memref<4096xf32, #tpu.memory_space<vmem>>, vector<16xf32>,
        %jit3A_450 = arith.constant 0.000000e+00 : f32
        %broadcast_in_dim3A_451 = vector.broadcast %jit3A_450 : f32 to vector<16xf32>
        %select_n3A_452 = arith.select %gt3A_442, %get3A_436, %broadcast_in_dim3A_451 : vector<16xi1>, vector<16xf32>
        %swap3A_453 = arith.index_cast %mul3A_434 : i32 to index
        %swap3A_454 = tpu.vector_load %arg13[%swap3A_453] {strides = array<i32>} : memref<4096xf32, #tpu.memory_space<vmem>>, vector<16xf32>,
        tpu.vector_store %arg13[%swap3A_453], %select_n3A_452 {strides = array<i32>} : memref<4096xf32, #tpu.memory_space<vmem>>, vector<16xf32>,
        %all_reduce_population_count3A_455 = tpu.all_reduce %gt3A_442 {dim = 0 : i64, kind = #tpu.reduction_kind<sum>} : vector<16xi1> -> vector<16xi32>
        %add3A_456 = arith.addi %add3A_423, %all_reduce_population_count3A_455 : vector<16xi32>
        %bitcast_convert_type3A_457 = tpu.bitcast %and3A_440 : vector<16xi32> -> vector<16xf32>
        %jit3A_458 = arith.constant 0.000000e+00 : f32
        %broadcast_in_dim3A_459 = vector.broadcast %jit3A_458 : f32 to vector<16xf32>
        %select_n3A_460 = arith.select %gt3A_442, %bitcast_convert_type3A_457, %broadcast_in_dim3A_459 : vector<16xi1>, vector<16xf32>
        %add3A_461 = arith.addf %add3A_428, %select_n3A_460 : vector<16xf32>
        %mul3A_462 = arith.constant 8 : i32
        %mul3A_463 = arith.muli %scan3A_264, %mul3A_462 : i32
        %add3A_464 = arith.constant 6 : i32
        %add3A_465 = arith.addi %mul3A_463, %add3A_464 : i32
        %mul3A_466 = arith.constant 16 : i32
        %mul3A_467 = arith.muli %add3A_465, %mul3A_466 : i32
        %get3A_468 = arith.index_cast %mul3A_467 : i32 to index
        %get3A_469 = tpu.vector_load %arg10[%get3A_468] {strides = array<i32>} : memref<4096xf32, #tpu.memory_space<vmem>>, vector<16xf32>,
        %bitcast_convert_type3A_470 = tpu.bitcast %get3A_469 : vector<16xf32> -> vector<16xi32>
        %and3A_471 = arith.constant 2147483647 : i32
        %and3A_472 = vector.broadcast %and3A_471 : i32 to vector<16xi32>
        %and3A_473 = arith.andi %bitcast_convert_type3A_470, %and3A_472 : vector<16xi32>
        %gt3A_474 = vector.broadcast %scan3A_183#0 : i32 to vector<16xi32>
        %gt3A_475 = arith.cmpi sgt, %and3A_473, %gt3A_474 : vector<16xi32>
        %jit3A_476 = arith.constant 1.000000e+00 : f32
        %jit3A_477 = arith.constant 0.000000e+00 : f32
        %broadcast_in_dim3A_478 = vector.broadcast %jit3A_476 : f32 to vector<16xf32>
        %broadcast_in_dim3A_479 = vector.broadcast %jit3A_477 : f32 to vector<16xf32>
        %select_n3A_480 = arith.select %gt3A_475, %broadcast_in_dim3A_478, %broadcast_in_dim3A_479 : vector<16xi1>, vector<16xf32>
        %swap3A_481 = arith.index_cast %mul3A_467 : i32 to index
        %swap3A_482 = tpu.vector_load %arg15[%swap3A_481] {strides = array<i32>} : memref<4096xf32, #tpu.memory_space<vmem>>, vector<16xf32>,
        tpu.vector_store %arg15[%swap3A_481], %select_n3A_480 {strides = array<i32>} : memref<4096xf32, #tpu.memory_space<vmem>>, vector<16xf32>,
        %jit3A_483 = arith.constant 0.000000e+00 : f32
        %broadcast_in_dim3A_484 = vector.broadcast %jit3A_483 : f32 to vector<16xf32>
        %select_n3A_485 = arith.select %gt3A_475, %get3A_469, %broadcast_in_dim3A_484 : vector<16xi1>, vector<16xf32>
        %swap3A_486 = arith.index_cast %mul3A_467 : i32 to index
        %swap3A_487 = tpu.vector_load %arg13[%swap3A_486] {strides = array<i32>} : memref<4096xf32, #tpu.memory_space<vmem>>, vector<16xf32>,
        tpu.vector_store %arg13[%swap3A_486], %select_n3A_485 {strides = array<i32>} : memref<4096xf32, #tpu.memory_space<vmem>>, vector<16xf32>,
        %all_reduce_population_count3A_488 = tpu.all_reduce %gt3A_475 {dim = 0 : i64, kind = #tpu.reduction_kind<sum>} : vector<16xi1> -> vector<16xi32>
        %add3A_489 = arith.addi %add3A_456, %all_reduce_population_count3A_488 : vector<16xi32>
        %bitcast_convert_type3A_490 = tpu.bitcast %and3A_473 : vector<16xi32> -> vector<16xf32>
        %jit3A_491 = arith.constant 0.000000e+00 : f32
        %broadcast_in_dim3A_492 = vector.broadcast %jit3A_491 : f32 to vector<16xf32>
        %select_n3A_493 = arith.select %gt3A_475, %bitcast_convert_type3A_490, %broadcast_in_dim3A_492 : vector<16xi1>, vector<16xf32>
        %add3A_494 = arith.addf %add3A_461, %select_n3A_493 : vector<16xf32>
        %mul3A_495 = arith.constant 8 : i32
        %mul3A_496 = arith.muli %scan3A_264, %mul3A_495 : i32
        %add3A_497 = arith.constant 7 : i32
        %add3A_498 = arith.addi %mul3A_496, %add3A_497 : i32
        %mul3A_499 = arith.constant 16 : i32
        %mul3A_500 = arith.muli %add3A_498, %mul3A_499 : i32
        %get3A_501 = arith.index_cast %mul3A_500 : i32 to index
        %get3A_502 = tpu.vector_load %arg10[%get3A_501] {strides = array<i32>} : memref<4096xf32, #tpu.memory_space<vmem>>, vector<16xf32>,
        %bitcast_convert_type3A_503 = tpu.bitcast %get3A_502 : vector<16xf32> -> vector<16xi32>
        %and3A_504 = arith.constant 2147483647 : i32
        %and3A_505 = vector.broadcast %and3A_504 : i32 to vector<16xi32>
        %and3A_506 = arith.andi %bitcast_convert_type3A_503, %and3A_505 : vector<16xi32>
        %gt3A_507 = vector.broadcast %scan3A_183#0 : i32 to vector<16xi32>
        %gt3A_508 = arith.cmpi sgt, %and3A_506, %gt3A_507 : vector<16xi32>
        %jit3A_509 = arith.constant 1.000000e+00 : f32
        %jit3A_510 = arith.constant 0.000000e+00 : f32
        %broadcast_in_dim3A_511 = vector.broadcast %jit3A_509 : f32 to vector<16xf32>
        %broadcast_in_dim3A_512 = vector.broadcast %jit3A_510 : f32 to vector<16xf32>
        %select_n3A_513 = arith.select %gt3A_508, %broadcast_in_dim3A_511, %broadcast_in_dim3A_512 : vector<16xi1>, vector<16xf32>
        %swap3A_514 = arith.index_cast %mul3A_500 : i32 to index
        %swap3A_515 = tpu.vector_load %arg15[%swap3A_514] {strides = array<i32>} : memref<4096xf32, #tpu.memory_space<vmem>>, vector<16xf32>,
        tpu.vector_store %arg15[%swap3A_514], %select_n3A_513 {strides = array<i32>} : memref<4096xf32, #tpu.memory_space<vmem>>, vector<16xf32>,
        %jit3A_516 = arith.constant 0.000000e+00 : f32
        %broadcast_in_dim3A_517 = vector.broadcast %jit3A_516 : f32 to vector<16xf32>
        %select_n3A_518 = arith.select %gt3A_508, %get3A_502, %broadcast_in_dim3A_517 : vector<16xi1>, vector<16xf32>
        %swap3A_519 = arith.index_cast %mul3A_500 : i32 to index
        %swap3A_520 = tpu.vector_load %arg13[%swap3A_519] {strides = array<i32>} : memref<4096xf32, #tpu.memory_space<vmem>>, vector<16xf32>,
        tpu.vector_store %arg13[%swap3A_519], %select_n3A_518 {strides = array<i32>} : memref<4096xf32, #tpu.memory_space<vmem>>, vector<16xf32>,
        %all_reduce_population_count3A_521 = tpu.all_reduce %gt3A_508 {dim = 0 : i64, kind = #tpu.reduction_kind<sum>} : vector<16xi1> -> vector<16xi32>
        %add3A_522 = arith.addi %add3A_489, %all_reduce_population_count3A_521 : vector<16xi32>
        %bitcast_convert_type3A_523 = tpu.bitcast %and3A_506 : vector<16xi32> -> vector<16xf32>
        %jit3A_524 = arith.constant 0.000000e+00 : f32
        %broadcast_in_dim3A_525 = vector.broadcast %jit3A_524 : f32 to vector<16xf32>
        %select_n3A_526 = arith.select %gt3A_508, %bitcast_convert_type3A_523, %broadcast_in_dim3A_525 : vector<16xi1>, vector<16xf32>
        %add3A_527 = arith.addf %add3A_494, %select_n3A_526 : vector<16xf32>
        scf.yield %add3A_522, %add3A_527 : vector<16xi32>, vector<16xf32>
      }
      %scan3A_199 = arith.constant 32 : i32
      %dma_start3A_200 = arith.constant 0 : i32
      %dma_start3A_201 = tpu.memref_slice %arg4[%add3A_165, %dma_start3A_200] : memref<8192x4096xf32, #tpu.memory_space<hbm>> -> memref<1x4096xf32, #tpu.memory_space<hbm>>
      %dma_start3A_202 = tpu.memref_squeeze %dma_start3A_201 : memref<1x4096xf32, #tpu.memory_space<hbm>> -> memref<4096xf32, #tpu.memory_space<hbm>>
      %dma_start3A_203 = arith.constant 0 : i32
      %dma_start3A_204 = tpu.memref_slice %arg4[%add3A_165, %dma_start3A_203] : memref<8192x4096xf32, #tpu.memory_space<hbm>> -> memref<1x4096xf32, #tpu.memory_space<hbm>>
      %dma_start3A_205 = tpu.memref_squeeze %dma_start3A_204 : memref<1x4096xf32, #tpu.memory_space<hbm>> -> memref<4096xf32, #tpu.memory_space<hbm>>
      tpu.enqueue_dma source(%arg13 : memref<4096xf32, #tpu.memory_space<vmem>>) target(%dma_start3A_205 : memref<4096xf32, #tpu.memory_space<hbm>>) target_semaphore(%arg21 : memref<!tpu.dma_semaphore, #tpu.memory_space<semaphore_mem>>)
      %dma_start3A_206 = arith.constant 0 : i32
      %dma_start3A_207 = tpu.memref_slice %arg5[%add3A_165, %dma_start3A_206] : memref<8192x4096xf32, #tpu.memory_space<hbm>> -> memref<1x4096xf32, #tpu.memory_space<hbm>>
      %dma_start3A_208 = tpu.memref_squeeze %dma_start3A_207 : memref<1x4096xf32, #tpu.memory_space<hbm>> -> memref<4096xf32, #tpu.memory_space<hbm>>
      %dma_start3A_209 = arith.constant 0 : i32
      %dma_start3A_210 = tpu.memref_slice %arg5[%add3A_165, %dma_start3A_209] : memref<8192x4096xf32, #tpu.memory_space<hbm>> -> memref<1x4096xf32, #tpu.memory_space<hbm>>
      %dma_start3A_211 = tpu.memref_squeeze %dma_start3A_210 : memref<1x4096xf32, #tpu.memory_space<hbm>> -> memref<4096xf32, #tpu.memory_space<hbm>>
      tpu.enqueue_dma source(%arg15 : memref<4096xf32, #tpu.memory_space<vmem>>) target(%dma_start3A_211 : memref<4096xf32, #tpu.memory_space<hbm>>) target_semaphore(%arg21 : memref<!tpu.dma_semaphore, #tpu.memory_space<semaphore_mem>>)
      %convert_element_type3A_212 = arith.sitofp %scan3A_198#0 : vector<16xi32> to vector<16xf32>
      %mul3A_213 = arith.constant 2.44140625E-4 : f32
      %mul3A_214 = vector.broadcast %mul3A_213 : f32 to vector<16xf32>
      %mul3A_215 = arith.mulf %convert_element_type3A_212, %mul3A_214 : vector<16xf32>
      %iota3A_216 = tpu.iota {dimensions = array<i32: 0>} : vector<16xi32>
      %jit3A_217 = arith.constant 16 : i32
      %eq3A_218 = arith.constant 0 : i32
      %eq3A_219 = arith.cmpi eq, %jit3A_217, %eq3A_218 : i32
      %jit3A_220 = arith.constant 1 : i32
      %select_n3A_221 = arith.select %eq3A_219, %jit3A_220, %jit3A_217 : i32
      %rem3A_222 = arith.remsi %add3A_164, %select_n3A_221 : i32
      %ne3A_223 = arith.constant 0 : i32
      %ne3A_224 = arith.cmpi ne, %rem3A_222, %ne3A_223 : i32
      %lt3A_225 = arith.constant 0 : i32
      %lt3A_226 = arith.cmpi slt, %rem3A_222, %lt3A_225 : i32
      %lt3A_227 = arith.constant 0 : i32
      %lt3A_228 = arith.cmpi slt, %select_n3A_221, %lt3A_227 : i32
      %ne3A_229 = arith.xori %lt3A_226, %lt3A_228 : i1
      %and3A_230 = arith.andi %ne3A_229, %ne3A_224 : i1
      %add3A_231 = arith.addi %rem3A_222, %select_n3A_221 : i32
      %select_n3A_232 = arith.select %and3A_230, %add3A_231, %rem3A_222 : i32
      %eq3A_233 = vector.broadcast %select_n3A_232 : i32 to vector<16xi32>
      %eq3A_234 = arith.cmpi eq, %iota3A_216, %eq3A_233 : vector<16xi32>
      %jit3A_235 = arith.constant 0.000000e+00 : f32
      %broadcast_in_dim3A_236 = vector.broadcast %jit3A_235 : f32 to vector<16xf32>
      %select_n3A_237 = arith.select %eq3A_234, %mul3A_215, %broadcast_in_dim3A_236 : vector<16xi1>, vector<16xf32>
      %add3A_238 = arith.addf %select_n3A_154, %select_n3A_237 : vector<16xf32>
      %jit3A_239 = arith.constant 16 : i32
      %eq3A_240 = arith.constant 0 : i32
      %eq3A_241 = arith.cmpi eq, %jit3A_239, %eq3A_240 : i32
      %jit3A_242 = arith.constant 1 : i32
      %select_n3A_243 = arith.select %eq3A_241, %jit3A_242, %jit3A_239 : i32
      %rem3A_244 = arith.remsi %add3A_164, %select_n3A_243 : i32
      %ne3A_245 = arith.constant 0 : i32
      %ne3A_246 = arith.cmpi ne, %rem3A_244, %ne3A_245 : i32
      %lt3A_247 = arith.constant 0 : i32
      %lt3A_248 = arith.cmpi slt, %rem3A_244, %lt3A_247 : i32
      %lt3A_249 = arith.constant 0 : i32
      %lt3A_250 = arith.cmpi slt, %select_n3A_243, %lt3A_249 : i32
      %ne3A_251 = arith.xori %lt3A_248, %lt3A_250 : i1
      %and3A_252 = arith.andi %ne3A_251, %ne3A_246 : i1
      %add3A_253 = arith.addi %rem3A_244, %select_n3A_243 : i32
      %select_n3A_254 = arith.select %and3A_252, %add3A_253, %rem3A_244 : i32
      %eq3A_255 = arith.constant 15 : i32
      %eq3A_256 = arith.cmpi eq, %select_n3A_254, %eq3A_255 : i32
      %convert_element_type3A_257 = arith.extui %eq3A_256 : i1 to i32
      %cond3A_258 = arith.constant 0 : i32
      %cond3A_259 = arith.cmpi ne, %convert_element_type3A_257, %cond3A_258 : i32
      scf.if %cond3A_259 {
        %sub3A_264 = arith.constant 15 : i32
        %sub3A_265 = arith.subi %add3A_164, %sub3A_264 : i32
        %swap3A_266 = arith.index_cast %sub3A_265 : i32 to index
        %swap3A_267 = tpu.vector_load %arg16[%swap3A_266] {strides = array<i32>} : memref<256xf32, #tpu.memory_space<vmem>>, vector<16xf32>,
        tpu.vector_store %arg16[%swap3A_266], %add3A_238 {strides = array<i32>} : memref<256xf32, #tpu.memory_space<vmem>>, vector<16xf32>,
      } else {
      }
      %broadcast_in_dim3A_260 = arith.constant 0.000000e+00 : f32
      %broadcast_in_dim3A_261 = vector.broadcast %broadcast_in_dim3A_260 : f32 to vector<16xf32>
      %select_n3A_262 = arith.select %eq3A_256, %broadcast_in_dim3A_261, %add3A_238 : vector<16xf32>
      %add3A_263 = arith.addf %add3A_155, %scan3A_198#1 : vector<16xf32>
      scf.yield %add3A_263, %select_n3A_262 : vector<16xf32>, vector<16xf32>
    }
    %scan3A_17 = arith.constant 128 : i32
    %add3A_18 = arith.constant 256 : i32
    %add3A_19 = arith.addi %mul3A_2, %add3A_18 : i32
    %sub3A = arith.constant 2 : i32
    %sub3A_20 = arith.subi %add3A_19, %sub3A : i32
    %dma_wait3A = arith.constant 0 : i32
    %dma_wait3A_21 = tpu.memref_slice %arg4[%sub3A_20, %dma_wait3A] : memref<8192x4096xf32, #tpu.memory_space<hbm>> -> memref<1x4096xf32, #tpu.memory_space<hbm>>
    %dma_wait3A_22 = tpu.memref_squeeze %dma_wait3A_21 : memref<1x4096xf32, #tpu.memory_space<hbm>> -> memref<4096xf32, #tpu.memory_space<hbm>>
    %dma_wait3A_23 = arith.constant 0 : i32
    %dma_wait3A_24 = tpu.memref_slice %arg4[%sub3A_20, %dma_wait3A_23] : memref<8192x4096xf32, #tpu.memory_space<hbm>> -> memref<1x4096xf32, #tpu.memory_space<hbm>>
    %dma_wait3A_25 = tpu.memref_squeeze %dma_wait3A_24 : memref<1x4096xf32, #tpu.memory_space<hbm>> -> memref<4096xf32, #tpu.memory_space<hbm>>
    tpu.wait_dma2 semaphore(%arg20 : memref<!tpu.dma_semaphore, #tpu.memory_space<semaphore_mem>>) src(%arg12 : memref<4096xf32, #tpu.memory_space<vmem>>) dst(%dma_wait3A_25 : memref<4096xf32, #tpu.memory_space<hbm>>)
    %add3A_26 = arith.constant 256 : i32
    %add3A_27 = arith.addi %mul3A_2, %add3A_26 : i32
    %sub3A_28 = arith.constant 2 : i32
    %sub3A_29 = arith.subi %add3A_27, %sub3A_28 : i32
    %dma_wait3A_30 = arith.constant 0 : i32
    %dma_wait3A_31 = tpu.memref_slice %arg5[%sub3A_29, %dma_wait3A_30] : memref<8192x4096xf32, #tpu.memory_space<hbm>> -> memref<1x4096xf32, #tpu.memory_space<hbm>>
    %dma_wait3A_32 = tpu.memref_squeeze %dma_wait3A_31 : memref<1x4096xf32, #tpu.memory_space<hbm>> -> memref<4096xf32, #tpu.memory_space<hbm>>
    %dma_wait3A_33 = arith.constant 0 : i32
    %dma_wait3A_34 = tpu.memref_slice %arg5[%sub3A_29, %dma_wait3A_33] : memref<8192x4096xf32, #tpu.memory_space<hbm>> -> memref<1x4096xf32, #tpu.memory_space<hbm>>
    %dma_wait3A_35 = tpu.memref_squeeze %dma_wait3A_34 : memref<1x4096xf32, #tpu.memory_space<hbm>> -> memref<4096xf32, #tpu.memory_space<hbm>>
    tpu.wait_dma2 semaphore(%arg20 : memref<!tpu.dma_semaphore, #tpu.memory_space<semaphore_mem>>) src(%arg14 : memref<4096xf32, #tpu.memory_space<vmem>>) dst(%dma_wait3A_35 : memref<4096xf32, #tpu.memory_space<hbm>>)
    %add3A_36 = arith.constant 256 : i32
    %add3A_37 = arith.addi %mul3A_2, %add3A_36 : i32
    %sub3A_38 = arith.constant 1 : i32
    %sub3A_39 = arith.subi %add3A_37, %sub3A_38 : i32
    %dma_wait3A_40 = arith.constant 0 : i32
    %dma_wait3A_41 = tpu.memref_slice %arg4[%sub3A_39, %dma_wait3A_40] : memref<8192x4096xf32, #tpu.memory_space<hbm>> -> memref<1x4096xf32, #tpu.memory_space<hbm>>
    %dma_wait3A_42 = tpu.memref_squeeze %dma_wait3A_41 : memref<1x4096xf32, #tpu.memory_space<hbm>> -> memref<4096xf32, #tpu.memory_space<hbm>>
    %dma_wait3A_43 = arith.constant 0 : i32
    %dma_wait3A_44 = tpu.memref_slice %arg4[%sub3A_39, %dma_wait3A_43] : memref<8192x4096xf32, #tpu.memory_space<hbm>> -> memref<1x4096xf32, #tpu.memory_space<hbm>>
    %dma_wait3A_45 = tpu.memref_squeeze %dma_wait3A_44 : memref<1x4096xf32, #tpu.memory_space<hbm>> -> memref<4096xf32, #tpu.memory_space<hbm>>
    tpu.wait_dma2 semaphore(%arg21 : memref<!tpu.dma_semaphore, #tpu.memory_space<semaphore_mem>>) src(%arg13 : memref<4096xf32, #tpu.memory_space<vmem>>) dst(%dma_wait3A_45 : memref<4096xf32, #tpu.memory_space<hbm>>)
    %add3A_46 = arith.constant 256 : i32
    %add3A_47 = arith.addi %mul3A_2, %add3A_46 : i32
    %sub3A_48 = arith.constant 1 : i32
    %sub3A_49 = arith.subi %add3A_47, %sub3A_48 : i32
    %dma_wait3A_50 = arith.constant 0 : i32
    %dma_wait3A_51 = tpu.memref_slice %arg5[%sub3A_49, %dma_wait3A_50] : memref<8192x4096xf32, #tpu.memory_space<hbm>> -> memref<1x4096xf32, #tpu.memory_space<hbm>>
    %dma_wait3A_52 = tpu.memref_squeeze %dma_wait3A_51 : memref<1x4096xf32, #tpu.memory_space<hbm>> -> memref<4096xf32, #tpu.memory_space<hbm>>
    %dma_wait3A_53 = arith.constant 0 : i32
    %dma_wait3A_54 = tpu.memref_slice %arg5[%sub3A_49, %dma_wait3A_53] : memref<8192x4096xf32, #tpu.memory_space<hbm>> -> memref<1x4096xf32, #tpu.memory_space<hbm>>
    %dma_wait3A_55 = tpu.memref_squeeze %dma_wait3A_54 : memref<1x4096xf32, #tpu.memory_space<hbm>> -> memref<4096xf32, #tpu.memory_space<hbm>>
    tpu.wait_dma2 semaphore(%arg21 : memref<!tpu.dma_semaphore, #tpu.memory_space<semaphore_mem>>) src(%arg15 : memref<4096xf32, #tpu.memory_space<vmem>>) dst(%dma_wait3A_55 : memref<4096xf32, #tpu.memory_space<hbm>>)
    %swap3A = arith.constant 0 : index
    %swap3A_56 = tpu.vector_load %arg17[%swap3A] {strides = array<i32>} : memref<16xf32, #tpu.memory_space<vmem>>, vector<16xf32>,
    tpu.vector_store %arg17[%swap3A], %scan3A_16#0 {strides = array<i32>} : memref<16xf32, #tpu.memory_space<vmem>>, vector<16xf32>,
    %mul3A_57 = arith.constant 16 : i32
    %mul3A_58 = arith.muli %add3A, %mul3A_57 : i32
    "tpu.region"() ({
      %run_scoped3A = tpu.sem_alloc : memref<!tpu.dma_semaphore, #tpu.memory_space<semaphore_mem>>
      %dma_start3A_59 = tpu.memref_slice %arg7[%mul3A_58] : memref<512xf32, #tpu.memory_space<hbm>> -> memref<16xf32, #tpu.memory_space<hbm>>
      %dma_start3A_60 = tpu.memref_slice %arg7[%mul3A_58] : memref<512xf32, #tpu.memory_space<hbm>> -> memref<16xf32, #tpu.memory_space<hbm>>
      tpu.enqueue_dma source(%arg17 : memref<16xf32, #tpu.memory_space<vmem>>) target(%dma_start3A_60 : memref<16xf32, #tpu.memory_space<hbm>>) target_semaphore(%run_scoped3A : memref<!tpu.dma_semaphore, #tpu.memory_space<semaphore_mem>>)
      %dma_wait3A_61 = tpu.memref_slice %arg7[%mul3A_58] : memref<512xf32, #tpu.memory_space<hbm>> -> memref<16xf32, #tpu.memory_space<hbm>>
      %dma_wait3A_62 = tpu.memref_slice %arg7[%mul3A_58] : memref<512xf32, #tpu.memory_space<hbm>> -> memref<16xf32, #tpu.memory_space<hbm>>
      tpu.wait_dma2 semaphore(%run_scoped3A : memref<!tpu.dma_semaphore, #tpu.memory_space<semaphore_mem>>) src(%arg17 : memref<16xf32, #tpu.memory_space<vmem>>) dst(%dma_wait3A_62 : memref<16xf32, #tpu.memory_space<hbm>>)
      tpu.yield
    }) : () -> ()
    "tpu.region"() ({
      %run_scoped3A = tpu.sem_alloc : memref<!tpu.dma_semaphore, #tpu.memory_space<semaphore_mem>>
      %dma_start3A_59 = tpu.memref_slice %arg6[%mul3A_2] : memref<8192xf32, #tpu.memory_space<hbm>> -> memref<256xf32, #tpu.memory_space<hbm>>
      %dma_start3A_60 = tpu.memref_slice %arg6[%mul3A_2] : memref<8192xf32, #tpu.memory_space<hbm>> -> memref<256xf32, #tpu.memory_space<hbm>>
      tpu.enqueue_dma source(%arg16 : memref<256xf32, #tpu.memory_space<vmem>>) target(%dma_start3A_60 : memref<256xf32, #tpu.memory_space<hbm>>) target_semaphore(%run_scoped3A : memref<!tpu.dma_semaphore, #tpu.memory_space<semaphore_mem>>)
      %dma_wait3A_61 = tpu.memref_slice %arg6[%mul3A_2] : memref<8192xf32, #tpu.memory_space<hbm>> -> memref<256xf32, #tpu.memory_space<hbm>>
      %dma_wait3A_62 = tpu.memref_slice %arg6[%mul3A_2] : memref<8192xf32, #tpu.memory_space<hbm>> -> memref<256xf32, #tpu.memory_space<hbm>>
      tpu.wait_dma2 semaphore(%run_scoped3A : memref<!tpu.dma_semaphore, #tpu.memory_space<semaphore_mem>>) src(%arg16 : memref<256xf32, #tpu.memory_space<vmem>>) dst(%dma_wait3A_62 : memref<256xf32, #tpu.memory_space<hbm>>)
      tpu.yield
    }) : () -> ()
    return
  }
}

module attributes {stable_mosaic.version = 14 : i64} {
  func.func @_mlp_kernel(%arg0: i32, %arg1: memref<128x4096xf32, #tpu.memory_space<vmem>>, %arg2: memref<4096x1024xbf16, #tpu.memory_space<vmem>>, %arg3: memref<1x1024xf32, #tpu.memory_space<vmem>>, %arg4: memref<1x1024xbf16, #tpu.memory_space<vmem>>, %arg5: memref<1x1xf32, #tpu.memory_space<vmem>>, %arg6: memref<128x1xf32, #tpu.memory_space<vmem>>, %arg7: memref<128x1xi32, #tpu.memory_space<vmem>>) attributes {dimension_semantics = [#tpu.dimension_semantics<arbitrary>], iteration_bounds = array<i64: 64>, scalar_prefetch = 0 : i64, scratch_operands = 0 : i64, tpu.core_type = #tpu.core_type<tc>, window_params = [{transform_indices = @transform_0, window_bounds = array<i64: 128, 4096>}, {pipeline_mode = #tpu.pipeline_mode<synchronous>, transform_indices = @transform_1, window_bounds = array<i64: 4096, 1024>}, {pipeline_mode = #tpu.pipeline_mode<synchronous>, transform_indices = @transform_2, window_bounds = array<i64: 1, 1024>}, {pipeline_mode = #tpu.pipeline_mode<synchronous>, transform_indices = @transform_3, window_bounds = array<i64: 1, 1024>}, {pipeline_mode = #tpu.pipeline_mode<synchronous>, transform_indices = @transform_4, window_bounds = array<i64: 1, 1>}, {transform_indices = @transform_5, window_bounds = array<i64: 128, 1>}, {transform_indices = @transform_6, window_bounds = array<i64: 128, 1>}]} {
    %get3A = arith.constant 0 : index
    %get3A_0 = arith.constant 0 : index
    %get3A_1 = vector.load %arg1[%get3A, %get3A_0] : memref<128x4096xf32, #tpu.memory_space<vmem>>, vector<128x4096xf32>
    %convert_element_type3A = arith.truncf %get3A_1 : vector<128x4096xf32> to vector<128x4096xbf16>
    %get3A_2 = arith.constant 0 : index
    %get3A_3 = arith.constant 0 : index
    %get3A_4 = vector.load %arg2[%get3A_2, %get3A_3] : memref<4096x1024xbf16, #tpu.memory_space<vmem>>, vector<4096x1024xbf16>
    %dot_general3A = arith.constant dense<0.000000e+00> : vector<128x1024xf32>
    %dot_general3A_5 = tpu.matmul %convert_element_type3A, %get3A_4, %dot_general3A {dimension_numbers = #tpu.dot_dimension_numbers<[1], [0], [0], [1], [0, 0, 1, 1], [], []>, transpose_lhs_hint = false} : vector<128x4096xbf16>, vector<4096x1024xbf16>, vector<128x1024xf32> -> vector<128x1024xf32>
    %get3A_6 = arith.constant 0 : index
    %get3A_7 = arith.constant 0 : index
    %get3A_8 = vector.load %arg3[%get3A_6, %get3A_7] : memref<1x1024xf32, #tpu.memory_space<vmem>>, vector<1x1024xf32>
    %add3A = vector.broadcast %get3A_8 : vector<1x1024xf32> to vector<128x1024xf32>
    %add3A_9 = arith.addf %dot_general3A_5, %add3A : vector<128x1024xf32>
    %max3A = arith.constant 0.000000e+00 : f32
    %max3A_10 = vector.broadcast %max3A : f32 to vector<128x1024xf32>
    %max3A_11 = arith.maximumf %add3A_9, %max3A_10 : vector<128x1024xf32>
    %convert_element_type3A_12 = arith.truncf %max3A_11 : vector<128x1024xf32> to vector<128x1024xbf16>
    %convert_element_type3A_13 = arith.extf %convert_element_type3A_12 : vector<128x1024xbf16> to vector<128x1024xf32>
    %get3A_14 = arith.constant 0 : index
    %get3A_15 = arith.constant 0 : index
    %get3A_16 = vector.load %arg4[%get3A_14, %get3A_15] : memref<1x1024xbf16, #tpu.memory_space<vmem>>, vector<1x1024xbf16>
    %convert_element_type3A_17 = arith.extf %get3A_16 : vector<1x1024xbf16> to vector<1x1024xf32>
    %mul3A = vector.broadcast %convert_element_type3A_17 : vector<1x1024xf32> to vector<128x1024xf32>
    %mul3A_18 = arith.mulf %convert_element_type3A_13, %mul3A : vector<128x1024xf32>
    %reduce_sum3A = arith.constant dense<0.000000e+00> : vector<128xf32>
    %reduce_sum3A_19 = vector.multi_reduction <add>, %mul3A_18, %reduce_sum3A [1] : vector<128x1024xf32> to vector<128xf32>
    %broadcast_in_dim3A = vector.shape_cast %reduce_sum3A_19 : vector<128xf32> to vector<128x1xf32>
    %get3A_20 = arith.constant 0 : index
    %get3A_21 = arith.constant 0 : index
    %get3A_22 = vector.load %arg5[%get3A_20, %get3A_21] : memref<1x1xf32, #tpu.memory_space<vmem>>, vector<1x1xf32>
    %add3A_23 = vector.broadcast %get3A_22 : vector<1x1xf32> to vector<128x1xf32>
    %add3A_24 = arith.addf %broadcast_in_dim3A, %add3A_23 : vector<128x1xf32>
    %logistic3A = arith.negf %add3A_24 : vector<128x1xf32>
    %logistic3A_25 = math.exp %logistic3A : vector<128x1xf32>
    %logistic3A_26 = arith.constant 1.000000e+00 : f32
    %logistic3A_27 = vector.broadcast %logistic3A_26 : f32 to vector<128x1xf32>
    %logistic3A_28 = arith.addf %logistic3A_27, %logistic3A_25 : vector<128x1xf32>
    %logistic3A_29 = arith.divf %logistic3A_27, %logistic3A_28 : vector<128x1xf32>
    %mul3A_30 = arith.constant 2.500000e-01 : f32
    %mul3A_31 = vector.broadcast %mul3A_30 : f32 to vector<128x1xf32>
    %mul3A_32 = arith.mulf %mul3A_31, %logistic3A_29 : vector<128x1xf32>
    %add3A_33 = arith.constant 5.000000e-02 : f32
    %add3A_34 = vector.broadcast %add3A_33 : f32 to vector<128x1xf32>
    %add3A_35 = arith.addf %add3A_34, %mul3A_32 : vector<128x1xf32>
    %swap3A = arith.constant 0 : index
    %swap3A_36 = arith.constant 0 : index
    %swap3A_37 = vector.load %arg6[%swap3A, %swap3A_36] : memref<128x1xf32, #tpu.memory_space<vmem>>, vector<128x1xf32>
    tpu.vector_store %arg6[%swap3A, %swap3A_36], %add3A_35 {strides = array<i32>} : memref<128x1xf32, #tpu.memory_space<vmem>>, vector<128x1xf32>,
    %sub3A = arith.constant 1.000000e+00 : f32
    %sub3A_38 = vector.broadcast %sub3A : f32 to vector<128x1xf32>
    %sub3A_39 = arith.subf %sub3A_38, %add3A_35 : vector<128x1xf32>
    %mul3A_40 = arith.constant 4.096000e+03 : f32
    %mul3A_41 = vector.broadcast %mul3A_40 : f32 to vector<128x1xf32>
    %mul3A_42 = arith.mulf %mul3A_41, %sub3A_39 : vector<128x1xf32>
    %round3A = math.roundeven %mul3A_42 : vector<128x1xf32>
    %convert_element_type3A_43 = arith.fptosi %round3A : vector<128x1xf32> to vector<128x1xi32>
    %max3A_44 = arith.constant 1 : i32
    %max3A_45 = vector.broadcast %max3A_44 : i32 to vector<128x1xi32>
    %max3A_46 = arith.maxsi %max3A_45, %convert_element_type3A_43 : vector<128x1xi32>
    %swap3A_47 = arith.constant 0 : index
    %swap3A_48 = arith.constant 0 : index
    %swap3A_49 = vector.load %arg7[%swap3A_47, %swap3A_48] : memref<128x1xi32, #tpu.memory_space<vmem>>, vector<128x1xi32>
    tpu.vector_store %arg7[%swap3A_47, %swap3A_48], %max3A_46 {strides = array<i32>} : memref<128x1xi32, #tpu.memory_space<vmem>>, vector<128x1xi32>,
    return
  }
  func.func @transform_0(%arg0: i32) -> (i32, i32) {
    %c0_i32 = arith.constant 0 : i32
    %c0_i32_0 = arith.constant 0 : i32
    return %arg0, %c0_i32 : i32, i32
  }
  func.func @transform_1(%arg0: i32) -> (i32, i32) {
    %c0_i32 = arith.constant 0 : i32
    %c0_i32_0 = arith.constant 0 : i32
    %c0_i32_1 = arith.constant 0 : i32
    return %c0_i32, %c0_i32_0 : i32, i32
  }
  func.func @transform_2(%arg0: i32) -> (i32, i32) {
    %c0_i32 = arith.constant 0 : i32
    %c0_i32_0 = arith.constant 0 : i32
    %c0_i32_1 = arith.constant 0 : i32
    return %c0_i32, %c0_i32_0 : i32, i32
  }
  func.func @transform_3(%arg0: i32) -> (i32, i32) {
    %c0_i32 = arith.constant 0 : i32
    %c0_i32_0 = arith.constant 0 : i32
    %c0_i32_1 = arith.constant 0 : i32
    return %c0_i32, %c0_i32_0 : i32, i32
  }
  func.func @transform_4(%arg0: i32) -> (i32, i32) {
    %c0_i32 = arith.constant 0 : i32
    %c0_i32_0 = arith.constant 0 : i32
    %c0_i32_1 = arith.constant 0 : i32
    return %c0_i32, %c0_i32_0 : i32, i32
  }
  func.func @transform_5(%arg0: i32) -> (i32, i32) {
    %c0_i32 = arith.constant 0 : i32
    %c0_i32_0 = arith.constant 0 : i32
    return %arg0, %c0_i32 : i32, i32
  }
  func.func @transform_6(%arg0: i32) -> (i32, i32) {
    %c0_i32 = arith.constant 0 : i32
    %c0_i32_0 = arith.constant 0 : i32
    return %arg0, %c0_i32 : i32, i32
  }
}

</mosaic_0001>

<sc_bundles>
// kernel: kernel.4.cloned.1.call-start
scs
__scs_entry_jumppad:
0x0: {  	(pc) =	sbr.rel $0x88, $3  }
0x1: {  	(tag) =	ssettag $0x0;
	lr =	simm.s32 $0x1  }
0x2: {  	[smem:$0x3F9C] =	sst lr;
	_ =	strace $0xD0000000  }
0x3: {  	_ = 	snop  }
0x4: {  	_ = 	snop  }
0x5: {  	_ = 	snop  }
0x6: {  	_ = 	snop  }
0x7: {  	_ = 	snop  }
__scs_overlays_trampoline_lowered:
0x8: {  	[smem:$0x3FAB] =	sst s0  }
0x9: {  	[smem:$0x3FAC] =	sst s1  }
0xa: {  	[smem:$0x3FAD] =	sst s2  }
0xb: {  	[smem:$0x3FAE] =	sst s3  }
0xc: {  	[smem:$0x3FAF] =	sst s4  }
0xd: {  	[smem:$0x3FB0] =	sst s5  }
0xe: {  	[smem:$0x3FB1] =	sst s6  }
0xf: {  	[smem:$0x3FB2] =	sst s7  }
0x10: {  	[smem:$0x3FB3] =	sst s8  }
0x11: {  	[smem:$0x3FB4] =	sst s9;
	s0 =	simm.s32 @!p0 $0x0  }
0x12: {  	s1 =	sld [smem:$0x3F9A];
	s0 =	simm.s32 @p0 $0x1  }
0x13: {  	[smem:$0x3FB5] =	sst s0;
	s0 =	simm.s32 @!p1 $0x0  }
0x14: {  	s2 =	sld [smem:$0x3F99];
	s0 =	simm.s32 @p1 $0x1  }
0x15: {  	[smem:$0x3FB6] =	sst s0;
	s0 =	simm.s32 @!p2 $0x0  }
0x16: {  	s3 =	sld [smem:$0x3FDB];
	s0 =	simm.s32 @p2 $0x1  }
0x17: {  	s4 =	simm.s32 $0x1BF5;
	[smem:$0x3FB8] =	sst s0  }
0x18: {  	s0 =	sld [smem:$0x3F9B];
	_ =	swait.ge [sflag:s4], $0x0  }
0x19: {  	s7 =	sld [smem:$0x3F9C]  }
0x1a: {  	s8 =	sadd.s32 $0xFFFFE003, lr  }
0x1b: {  	s9 =	sadd.s32 $0xFFFFFEF7, lr;
	s5 =	simm.s32 $0xFFFFFFFF;
	p2 =	slt.u32 s8, $0xFFFFF086  }
0x1c: {  	p1 =	slt.u32 s9, $0xF7A;
	s5 =	simm.s32 @!p2 $0x0  }
0x1d: {  	s5 =	simm.s32 @p1 $0x1;
	p0 =	seq.s32 s7, s2  }
0x1e: {  	s7 =	smul.u32 @!p0 $0xF7A, s2;
	p2 =	seq.s32 @!p0 s5, $0x0  }
0x1f: {  	s9 =	smul.u32 $0xF7A, s1;
	s8 =	simm.s32 @!p0 $0x1BF5;
	p2 =	por !p2, p0  }
0x20: {  	[sflag:s8] =	ssyncset.s32 @!p0 $0xFFFFF086;
	s6 =	sadd.s32 @!p0 s3, s7;
	s7 =	simm.s32 @!p0 $0x108  }
0x21: {  	s3 =	sadd.s32 s3, s9;
	s6 =	sadd.s32 @!p0 $0x88, s6;
	s7 =	simm.s32 @p2 $0x1082  }
0x22: {  	[simem:s7], [sflag:s8] =	dma.local @!p0 [hbm:s6], $0xF7A  }
0x23: {  	s9 =	sor.u32 $0xD0000000, s2;
	s6 =	simm.s32 $0x108;
	_ =	swait.ge @!p0 [sflag:s8], $0x0  }
0x24: {  	s3 =	sadd.s32 $0x88, s3;
	s6 =	simm.s32 @!p1 $0x1082;
	[sflag:s4] =	ssyncset.s32 $0xFFFFF086  }
0x25: {  	[simem:s6], [sflag:s4] =	dma.local [hbm:s3], $0xF7A  }
0x26: {  	[smem:$0x3F9C] =	sst s1;
	(tag) =	ssettag s2;
	_ =	strace s9  }
0x27: {  	s1 =	sld [smem:$0x3FAC]  }
0x28: {  	s2 =	sld [smem:$0x3FAD]  }
0x29: {  	s4 =	sld [smem:$0x3FAF]  }
0x2a: {  	p0 =	seq.s32 s5, $0x0;
	s5 =	sld [smem:$0x3FB0]  }
0x2b: {  	s6 =	sld [smem:$0x3FB1]  }
0x2c: {  	s7 =	sld [smem:$0x3FB2]  }
0x2d: {  	s3 =	simm.s32 $0x108;
	s8 =	sld [smem:$0x3FB3]  }
0x2e: {  	s3 =	simm.s32 @!p0 $0x1082;
	s9 =	sld [smem:$0x3FB4]  }
0x2f: {  	lr =	sadd.s32 s0, s3;
	s0 =	sld [smem:$0x3FAB]  }
0x30: {  	s3 =	sld [smem:$0x3FAE]  }
0x31: {  	[smem:$0x3FB7] =	sst s10  }
0x32: {  	s10 =	sld [smem:$0x3FB5];
	_ =	sdelay $0x3  }
0x33: {  	p0 =	seq.s32 s10, $0x1;
	s10 =	sld [smem:$0x3FB7];
	_ =	sdelay $0x3  }
0x34: {  	[smem:$0x3FB7] =	sst s10  }
0x35: {  	s10 =	sld [smem:$0x3FB6];
	_ =	sdelay $0x3  }
0x36: {  	p1 =	seq.s32 s10, $0x1;
	s10 =	sld [smem:$0x3FB7];
	_ =	sdelay $0x3  }
0x37: {  	[smem:$0x3FB7] =	sst s10  }
0x38: {  	s10 =	sld [smem:$0x3FB8]  }
0x39: {  	_ = 	snop;
	(pc) =	sbr.ind lr, $3  }
0x3a: {  	_ = 	snop  }
0x3b: {  	_ = 	snop  }
0x3c: {  	p2 =	seq.s32 s10, $0x1;
	s10 =	sld [smem:$0x3FB7]  }
0x3d: {  	_ =	shalt  }
0x3e: {  	_ =	shalt  }
0x3f: {  	_ =	shalt  }
0x40: {  	_ =	shalt  }
0x41: {  	_ =	shalt  }
0x42: {  	_ =	shalt  }
0x43: {  	_ =	shalt  }
0x44: {  	_ =	shalt  }
0x45: {  	_ =	shalt  }
0x46: {  	_ =	shalt  }
0x47: {  	_ =	shalt  }
0x48: {  	_ =	shalt  }
0x49: {  	_ =	shalt  }
0x4a: {  	_ =	shalt  }
0x4b: {  	_ =	shalt  }
0x4c: {  	_ =	shalt  }
0x4d: {  	_ =	shalt  }
0x4e: {  	_ =	shalt  }
0x4f: {  	_ =	shalt  }
0x50: {  	_ =	shalt  }
0x51: {  	_ =	shalt  }
0x52: {  	_ =	shalt  }
0x53: {  	_ =	shalt  }
0x54: {  	_ =	shalt  }
0x55: {  	_ =	shalt  }
0x56: {  	_ =	shalt  }
0x57: {  	_ =	shalt  }
0x58: {  	_ =	shalt  }
0x59: {  	_ =	shalt  }
0x5a: {  	_ =	shalt  }
0x5b: {  	_ =	shalt  }
0x5c: {  	_ =	shalt  }
0x5d: {  	_ =	shalt  }
0x5e: {  	_ =	shalt  }
0x5f: {  	_ =	shalt  }
0x60: {  	_ =	shalt  }
0x61: {  	_ =	shalt  }
0x62: {  	_ =	shalt  }
0x63: {  	_ =	shalt  }
0x64: {  	_ =	shalt  }
0x65: {  	_ =	shalt  }
0x66: {  	_ =	shalt  }
0x67: {  	_ =	shalt  }
0x68: {  	_ =	shalt  }
0x69: {  	_ =	shalt  }
0x6a: {  	_ =	shalt  }
0x6b: {  	_ =	shalt  }
0x6c: {  	_ =	shalt  }
0x6d: {  	_ =	shalt  }
0x6e: {  	_ =	shalt  }
0x6f: {  	_ =	shalt  }
0x70: {  	_ =	shalt  }
0x71: {  	_ =	shalt  }
0x72: {  	_ =	shalt  }
0x73: {  	_ =	shalt  }
0x74: {  	_ =	shalt  }
0x75: {  	_ =	shalt  }
0x76: {  	_ =	shalt  }
0x77: {  	_ =	shalt  }
0x78: {  	_ =	shalt  }
0x79: {  	_ =	shalt  }
0x7a: {  	_ =	shalt  }
0x7b: {  	_ =	shalt  }
0x7c: {  	_ =	shalt  }
0x7d: {  	_ =	shalt  }
0x7e: {  	_ =	shalt  }
0x7f: {  	_ =	shalt  }
0x80: {  	_ =	shalt  }
0x81: {  	_ =	shalt  }
0x82: {  	_ =	shalt  }
0x83: {  	_ =	shalt  }
0x84: {  	_ =	shalt  }
0x85: {  	_ =	shalt  }
0x86: {  	_ =	shalt  }
0x87: {  	_ =	shalt  }
.Lfunc_end0:
.L_simem_size_0:
called_computation_lowered:
.L_overlay_start_0:
0x88: {  	s2 =	sld [smem:$0x3FD9]  }
0x89: {  	s3 =	sld [smem:$0x3FFE];
	_ =	sdelay $0x1  }
0x8a: {  	s1 =	srdreg.scid  }
0x8b: {  	s0 =	sand.u32 $0x1, s1  }
0x8c: {  	s14 =	sshll.u32 s0, $0xA;
	s2 =	sadd.s32 s3, s2  }
0x8d: {  	s2 =	sadd.s32 s2, s14  }
0x8e: {  	[smem:$0x3FC3] =	sst s2  }
0x8f: {  	_ = 	snop  }
0x90: {  	s2 =	sld [smem:$0x3FD0];
	_ =	sdelay $0x2  }
0x91: {  	s4 =	simm.s32 $0xA;
	s5 =	simm.s32 $0x10;
	s15 =	sld [smem:$0x3FC9]  }
0x92: {  	[smem:s5], [sflag:s4] =	dma.local [hbm:s2], $0x1  }
0x93: {  	_ =	swait.eq [sflag:s4], $0x1  }
0x94: {  	s16 =	sld [smem:$0x10];
	[sflag:s4] =	ssyncset.done $0x0  }
0x95: {  	s17 =	sld [smem:$0x11];
	[sflag:s4] =	ssyncadd.s32 $0xFFFFFFFF  }
0x96: {  	s18 =	sld [smem:$0x13];
	(tm) =	ssettm $0x1  }
0x97: {  	s6 =	sld [smem:$0x3FFB];
	_ =	sdelay $0x3  }
0x98: {  	_ =	strace s6  }
0x99: {  	s6 =	sld [smem:$0x3FFC];
	_ =	sdelay $0x3  }
0x9a: {  	_ =	strace s6  }
0x9b: {  	s6 =	sld [smem:$0x3FFD];
	_ =	sdelay $0x3  }
0x9c: {  	_ =	strace s6  }
0x9d: {  	_ =	strace $0x8FFFFFFF  }
0x9e: {  	s19 =	sld [smem:$0x3FDB];
	_ =	sdelay $0x1  }
0x9f: {  	s7 =	simm.s32 $_scs_section_size  }
0xa0: {  	s8 =	simm.s32 $_size__tile_overlayer_lowered;
	s9 =	simm.s32 $_tile_overlayer_lowered  }
0xa1: {  	s22 =	simm.s32 $0x1BFF;
	s21 =	sshll.u32 s9, $0x1;
	s6 =	sadd.s32 s7, s19  }
0xa2: {  	s10 =	simm.s32 $0x0;
	s20 =	sshll.u32 s8, $0x1;
	s8 =	sadd.s32 s21, s6  }
0xa3: {  	[timem:s10], [sflag:s22] =	dma.local [hbm:s8], s20  }
0xa4: {  	_ =	swait.ge [sflag:s22], s20  }
0xa5: {  	s7 =	ssub.s32 $0x0, s20;
	[sflag:s22] =	ssyncset.done $0x0  }
0xa6: {  	[sflag:s22] =	ssyncadd.s32 s7;
	_ =	sdelay $0x1  }
0xa7: {  	s23 =	simm.s32 $0x1B8B  }
0xa8: {  	_ =	swait.ge [sflag:s23], $0x1  }
0xa9: {  	[sflag:s23] =	ssyncset.done $0x0  }
0xaa: {  	s25 =	simm.s32 $0x1B8E;
	s24 =	sld [smem:$0x3FFE];
	[sflag:s23] =	ssyncadd.s32 $0xFFFFFFFF  }
0xab: {  	s26 =	simm.s32 $execute0_lowered;
	[smem:$0x3FD2] =	sst s25  }
0xac: {  	s8 =	sshll.u32 s26, $0x1;
	_ =	strace $0x80000046;
	[dreg:$0x1] =	wrdreg $0xFFFFFFFF  }
0xad: {  	s28 =	simm.s32 $_size_execute0_lowered;
	s6 =	sadd.s32 s6, s8;
	[dreg:$0x0] =	wrdreg $0x0  }
0xae: {  	s8 =	sshll.u32 s28, $0x1;
	[dreg:$0x2] =	wrdreg s6  }
0xaf: {  	[dreg:$0x3] =	wrdreg s8  }
0xb0: {  	[dreg:$0x4] =	wrdreg $0xC0  }
0xb1: {  	_ =	task [dreg:s10], $0x5FFFF  }
0xb2: {  	[dreg:$0x1] =	wrdreg $0xFFFFFFFF  }
0xb3: {  	[dreg:$0x0] =	wrdreg $0x60  }
0xb4: {  	[dreg:$0x2] =	wrdreg s15  }
0xb5: {  	[dreg:$0x3] =	wrdreg s24  }
0xb6: {  	[dreg:$0x4] =	wrdreg s16  }
0xb7: {  	[dreg:$0x5] =	wrdreg s17  }
0xb8: {  	[dreg:$0x6] =	wrdreg s18  }
0xb9: {  	[dreg:$0x7] =	wrdreg $0x9  }
0xba: {  	_ =	task.clear_ibuf [dreg:s10], $0x8FFFF;
	_ =	strace $0x90000046  }
0xbb: {  	s29 =	simm.s32 $0x9;
	_ =	strace $0x80000048  }
0xbc: {  	_ =	swait.ge [sflag:s29], $0x1  }
0xbd: {  	[sflag:s29] =	ssyncadd.s32 $0xFFFFFFFF  }
0xbe: {  	_ =	strace $0x90000048  }
0xbf: {  	_ =	sfence  }
0xc0: {  	s30 =	sld [smem:$0x0];
	_ =	sdelay $0x2  }
0xc1: {  	s31 =	sshll.u32 s1, $0xD;
	s1 =	sshrl.u32 s1, $0x2  }
0xc2: {  	s3 =	sand.u32 $0x4000, s31;
	s1 =	sadd.s32 s1, s30  }
0xc3: {  	s0 =	sor.u32 s3, s0;
	s1 =	sshll.u32 s1, $0x11  }
0xc4: {  	s0 =	sor.u32 s1, s0  }
0xc5: {  	s0 =	sadd.s32 $0x8F2B, s0  }
0xc6: {  	[sflag:s0] =	ssyncadd.remote.s32 $0x1  }
0xc7: {  	_ =	sfence.sel $0xFFFF  }
0xc8: {  	[dreg:$0x0] =	wrdreg $0xFFFFFFFF;
	(pc) =	sbr.abs _section_cstart, $3  }
0xc9: {  	[dreg:$0x1] =	wrdreg $0xFFFFFFFF  }
0xca: {  	_ =	task.clear_ibuf [dreg:s10], $0x2FFFF;
	_ =	strace $0x9FFFFFFF  }
0xcb: {  	(tm) =	ssettm $0x7FFFFFFF  }
tec
execute0_lowered:
.L_overlay_start_1:
0x0: {  	(tag) =	ssettag $0x1  }
0x1: {  	s1 =	rddreg [dreg:$0x0]  }
0x2: {  	s0 =	rddreg [dreg:$0x1]  }
0x3: {  	s2 =	rddreg [dreg:$0x2]  }
0x4: {  	s3 =	rddreg [dreg:$0x3]  }
0x5: {  	s4 =	rddreg [dreg:$0x4]  }
0x6: {  	s5 =	simm.s32 $0x0;
	s6 =	srdreg.scid;
	s7 =	stileid.u32  }
0x7: {  	s12 =	simm.s32 $0x5;
	s13 =	simm.s32 $0x80;
	s14 =	simm.s32 $0x400  }
0x8: {  	s16 =	simm.s32 $0x1180;
	s17 =	simm.s32 $0x1;
	s18 =	simm.s32 $0x2180  }
0x9: {  	s19 =	simm.s32 $0x4180;
	s20 =	simm.s32 $0x2;
	s21 =	simm.s32 $0x3180  }
0xa: {  	[smem:$0x7FF] =	sst s5;
	s6 =	sand.u32 $0x1, s6;
	s7 =	sshll.u32 s7, $0x1  }
0xb: {  	s22 =	simm.s32 $0x5180;
	_ =	strace $0x80000047;
	s7 =	sor.u32 s6, s7  }
0xc: {  	s6 =	ssub.s32 $0x2, s6;
	s8 =	sshll.u32 s7, $0x5;
	s9 =	sshll.u32 s7, $0x1  }
0xd: {  	s30 =	sshrl.u32 s6, $0x1;
	s10 =	sadd.s32 s8, s0;
	s0 =	sadd.s32 s9, s0  }
0xe: {  	s9 =	ssub.s32 s6, s30;
	s6 =	sshll.u32 s7, $0x8;
	s31 =	sadd.s32 s4, s8  }
0xf: {  	s7 =	sshll.u32 s7, $0x11;
	s10 =	sadd.s32 $0x200, s10;
	[dreg:$0x9] =	wrdreg s31  }
0x10: {  	s23 =	simm.s32 $0x3;
	s7 =	sadd.s32 s1, s7;
	[dreg:$0x6] =	wrdreg s10  }
0x11: {  	s24 =	simm.s32 $0x4;
	s0 =	sadd.s32 $0x600, s0;
	[dreg:$0x7] =	wrdreg s7  }
0x12: {  	v0 =	vimm.f32 $0.0e+00;
	v1 =	vlaneseq.u32;
	s28 =	simm.s32 $0x0;
	s11 =	smax.u32 s9, $0x1;
	[dreg:$0x8] =	wrdreg s0  }
.LBB2_1:
0x13: {  	s0 =	rddreg [dreg:$0x6]  }
0x14: {  	[tilespmem:s5], [sflag:$0x5] =	stream.linear.gather [hbm4b:s0+s5], $0x100, $0x38;
	[tilespmem:$0x6300] =	vst v63  }
0x15: {  	_ =	swait.ge [sflag:s12], $0x100  }
0x16: {  	s4 =	simm.s32 $0x180;
	[sflag:s12] =	ssyncset.done $0x0  }
0x17: {  	s29 =	simm.s32 $0x0;
	s31 =	rddreg [dreg:$0x7];
	[sflag:s12] =	ssyncadd.s32 $0xFFFFFF00  }
0x18: {  	v3 =	vimm.f32 $0.0e+00;
	v2 =	vimm.f32 $0.0e+00;
	[tilespmem:s4], [sflag:$0x1] =	stream.strided.gather [hbm4b:s31+s13], $0x1000, s14, s13, $0x38;
	[tilespmem:$0x6300] =	vst v63  }
.LBB2_2:
0x19: {  	s30 =	sshll.u32 s29, $0x1  }
0x1a: {  	s31 =	sshllo.u32 s29, $0x1;
	s0 =	sadd.s32 s6, s30  }
0x1b: {  	s7 =	sshll.u32 s31, $0x4;
	s0 =	sshll.u32 s0, $0x9  }
0x1c: {  	s25 =	sand.u32 $0x70, s7;
	s4 =	sand.u32 $0xFFFF000, s0  }
0x1d: {  	s0 =	sor.u32 s25, s4  }
0x1e: {  	s26 =	sadd.s32 s1, s0  }
0x1f: {  	[tilespmem:s16], [sflag:$0x2] =	stream.strided.gather [hbm4b:s26+s13], $0x1000, s14, s13, $0x38;
	[tilespmem:$0x6300] =	vst v63  }
0x20: {  	_ =	swait.ge [sflag:s17], $0x1000  }
0x21: {  	[sflag:s17] =	ssyncset.done $0x0  }
0x22: {  	[sflag:s17] =	ssyncadd.s32 $0xFFFFF000  }
0x23: {  	v4 =	vld [tilespmem:s30+$0x0];
	_ =	sdelay $0x4  }
0x24: {  	(v2sf) =	vpush v4, $0x0;
	_ =	sdelay $0xd  }
0x25: {  	s8 =	simm.s32 $0x7F7FFFFF  }
0x26: {  	s25 =	simm.s32 $0x0;
	s26 =	simm.s32 $0x0;
	s15 =	spop (v2sf)  }
.LBB2_3:
0x27: {  	s9 =	simm.s32 $0x0  }
0x28: {  	v5 =	vld [tilespmem:s9+$0x1F0]  }
0x29: {  	v6 =	vld [tilespmem:s9+$0x1E0]  }
0x2a: {  	v7 =	vld [tilespmem:s9+$0x1D0]  }
0x2b: {  	v8 =	vld [tilespmem:s9+$0x1C0]  }
0x2c: {  	v9 =	vld [tilespmem:s9+$0x180]  }
0x2d: {  	s7 =	ssub.s32 s8, s25;
	v10 =	vld [tilespmem:s9+$0x190]  }
0x2e: {  	s7 =	sshra.s32 s7, $0x1;
	v12 =	vld [tilespmem:s9+$0x1A0]  }
0x2f: {  	v13 =	vld [tilespmem:s9+$0x1B0];
	s7 =	sadd.s32 s25, s7  }
0x30: {  	v14 =	vimm.s32 $0x0;
	v4 =	vmov s7;
	v6 =	vand.u32 $0x7FFFFFFF, v6  }
0x31: {  	v5 =	vand.u32 $0x7FFFFFFF, v5;
	v9 =	vand.u32 $0x7FFFFFFF, v9;
	v11 =	vand.u32 $0x7FFFFFFF, v7  }
0x32: {  	s9 =	simm.s32 $0x80;
	v15 =	vand.u32 $0x7FFFFFFF, v8;
	vm0 =	vle.s32 v9, v4;
	v9 =	vand.u32 $0x7FFFFFFF, v10  }
0x33: {  	v7 =	vld [tilespmem:s9+$0x1F0];
	v10 =	vand.u32 $0x7FFFFFFF, v12;
	v8 =	vmpcnt.ones.xlane vm0;
	vm0 =	vle.s32 v9, v4  }
0x34: {  	v13 =	vand.u32 $0x7FFFFFFF, v13;
	v9 =	vld [tilespmem:s9+$0x1E0];
	v16 =	vmpcnt.ones.xlane vm0;
	vm0 =	vle.s32 v10, v4  }
0x35: {  	v10 =	vld [tilespmem:s9+$0x1D0];
	v14 =	vadd.s32 v14, v8;
	v12 =	vmpcnt.ones.xlane vm0;
	vm0 =	vle.s32 v13, v4  }
0x36: {  	s10 =	simm.s32 $0x400;
	v8 =	vld [tilespmem:s9+$0x1C0];
	v14 =	vadd.s32 v16, v14;
	v13 =	vmpcnt.ones.xlane vm0;
	vm0 =	vle.s32 v15, v4  }
.LBB2_4:
0x37: {  	p0 =	sne.s32 s10, $0x3E00;
	v15 =	vld [tilespmem:s9+$0x180];
	v12 =	vadd.s32 v12, v14;
	v14 =	vmpcnt.ones.xlane vm0;
	vm0 =	vle.s32 v11, v4  }
0x38: {  	v16 =	vld [tilespmem:s9+$0x190];
	v11 =	vadd.s32 v13, v12;
	v12 =	vmpcnt.ones.xlane vm0;
	vm0 =	vle.s32 v6, v4  }
0x39: {  	v13 =	vld [tilespmem:s9+$0x1A0];
	v6 =	vadd.s32 v14, v11;
	v11 =	vmpcnt.ones.xlane vm0;
	vm0 =	vle.s32 v5, v4  }
0x3a: {  	v14 =	vld [tilespmem:s9+$0x1B0];
	v12 =	vadd.s32 v12, v6;
	v17 =	vmpcnt.ones.xlane vm0  }
0x3b: {  	v5 =	vand.u32 $0x7FFFFFFF, v7;
	v6 =	vand.u32 $0x7FFFFFFF, v9;
	v7 =	vadd.s32 v11, v12  }
0x3c: {  	v11 =	vand.u32 $0x7FFFFFFF, v10;
	v9 =	vand.u32 $0x7FFFFFFF, v15;
	v12 =	vadd.s32 v17, v7  }
.Ltmp0:
0x3d: {  	s9 =	sshra.s32 s10, $0x2;
	v15 =	vand.u32 $0x7FFFFFFF, v8;
	vm0 =	vle.s32 v9, v4;
	v9 =	vand.u32 $0x7FFFFFFF, v16;
	(pc) =	sbr.rel @p0 .LBB2_4-.Ltmp0, $4  }
0x3e: {  	v7 =	vld [tilespmem:s9+$0x1F0];
	v8 =	vmpcnt.ones.xlane vm0;
	vm0 =	vle.s32 v9, v4;
	v10 =	vand.u32 $0x7FFFFFFF, v13  }
0x3f: {  	v9 =	vld [tilespmem:s9+$0x1E0];
	v13 =	vmpcnt.ones.xlane vm0;
	vm0 =	vle.s32 v10, v4;
	v14 =	vand.u32 $0x7FFFFFFF, v14  }
0x40: {  	v10 =	vld [tilespmem:s9+$0x1D0];
	v16 =	vadd.s32 v12, v8;
	v12 =	vmpcnt.ones.xlane vm0;
	vm0 =	vle.s32 v14, v4  }
0x41: {  	s10 =	sadd.s32 $0x200, s10;
	v8 =	vld [tilespmem:s9+$0x1C0];
	v14 =	vadd.s32 v13, v16;
	v13 =	vmpcnt.ones.xlane vm0;
	vm0 =	vle.s32 v15, v4  }
0x42: {  	v15 =	vld [tilespmem:s9+$0x180];
	v12 =	vadd.s32 v12, v14;
	v51 =	vmpcnt.ones.xlane vm0  }
0x43: {  	vm5 =	vle.s32 v11, v4;
	v52 =	vld [tilespmem:s9+$0x190];
	vm6 =	vle.s32 v6, v4;
	vm7 =	vle.s32 v5, v4  }
0x44: {  	v54 =	vld [tilespmem:s9+$0x1A0];
	v12 =	vadd.s32 v13, v12;
	v53 =	vmpcnt.ones.xlane vm5;
	v55 =	vmpcnt.ones.xlane vm6  }
0x45: {  	v5 =	vld [tilespmem:s9+$0x1B0];
	v56 =	vmpcnt.ones.xlane vm7;
	v7 =	vand.u32 $0x7FFFFFFF, v7;
	v12 =	vadd.s32 v51, v12  }
0x46: {  	v9 =	vand.u32 $0x7FFFFFFF, v9;
	v12 =	vadd.s32 v53, v12;
	v10 =	vand.u32 $0x7FFFFFFF, v10  }
0x47: {  	v12 =	vadd.s32 v55, v12;
	v8 =	vand.u32 $0x7FFFFFFF, v8;
	v57 =	vand.u32 $0x7FFFFFFF, v15  }
0x48: {  	v12 =	vadd.s32 v56, v12;
	v11 =	vand.u32 $0x7FFFFFFF, v52;
	vm8 =	vle.s32 v57, v4  }
0x49: {  	v6 =	vand.u32 $0x7FFFFFFF, v54;
	vm9 =	vle.s32 v11, v4;
	v58 =	vmpcnt.ones.xlane vm8  }
0x4a: {  	v5 =	vand.u32 $0x7FFFFFFF, v5;
	vm10 =	vle.s32 v6, v4;
	v11 =	vmpcnt.ones.xlane vm9  }
0x4b: {  	vm11 =	vle.s32 v5, v4;
	v60 =	vmpcnt.ones.xlane vm10;
	v59 =	vadd.s32 v12, v58  }
0x4c: {  	vm12 =	vle.s32 v8, v4;
	v61 =	vmpcnt.ones.xlane vm11;
	v5 =	vadd.s32 v11, v59  }
0x4d: {  	vm13 =	vle.s32 v10, v4;
	v8 =	vmpcnt.ones.xlane vm12;
	v5 =	vadd.s32 v60, v5  }
0x4e: {  	vm14 =	vle.s32 v9, v4;
	v62 =	vmpcnt.ones.xlane vm13;
	v5 =	vadd.s32 v61, v5  }
0x4f: {  	vm15 =	vle.s32 v7, v4;
	v63 =	vmpcnt.ones.xlane vm14;
	v5 =	vadd.s32 v8, v5  }
0x50: {  	v4 =	vadd.s32 v62, v5;
	v5 =	vmpcnt.ones.xlane vm15  }
0x51: {  	v4 =	vadd.s32 v63, v4  }
0x52: {  	v4 =	vadd.s32 v5, v4  }
0x53: {  	(v2sf) =	vpush v4, $0x0;
	_ =	sdelay $0xb  }
0x54: {  	s26 =	sadd.s32 $0x1, s26  }
0x55: {  	p1 =	sne.s32 s26, $0x1F  }
.Ltmp1:
0x56: {  	_ = 	snop;
	(pc) =	sbr.rel @p1 .LBB2_3-.Ltmp1, $4  }
0x57: {  	s10 =	spop (v2sf)  }
0x58: {  	p0 =	slt.s32 s10, s15  }
0x59: {  	s9 =	sadd.s32 $0x1, s7;
	s7 =	smov.u32 @p0 s8  }
0x5a: {  	s25 =	smov.u32 @p0 s9;
	s8 =	smov.u32 s7  }
0x5b: {  	p0 =	seq.s32 s29, $0x0  }
0x5c: {  	s7 =	simm.s32 @!p0 $0x3  }
0x5d: {  	_ =	swait.ge @!p0 [sflag:s7], $0x1000  }
0x5e: {  	[sflag:s7] =	ssyncset.done @!p0 $0x0  }
0x5f: {  	[sflag:s7] =	ssyncadd.s32 @!p0 $0xFFFFF000  }
0x60: {  	_ =	swait.ge @!p0 [sflag:s7], $0x1000  }
0x61: {  	[sflag:s7] =	ssyncset.done @!p0 $0x0  }
0x62: {  	s15 =	simm.s32 $0x0;
	[sflag:s7] =	ssyncadd.s32 @!p0 $0xFFFFF000  }
0x63: {  	v5 =	vld [tilespmem:s15+$0x1F0]  }
0x64: {  	v9 =	vld [tilespmem:s15+$0x180]  }
0x65: {  	v8 =	vld [tilespmem:s15+$0x190]  }
0x66: {  	v11 =	vld [tilespmem:s15+$0x1D0]  }
0x67: {  	v10 =	vld [tilespmem:s15+$0x1A0]  }
0x68: {  	v12 =	vld [tilespmem:s15+$0x1B0]  }
0x69: {  	v4 =	vmov s25;
	v13 =	vand.u32 $0x7FFFFFFF, v9  }
0x6a: {  	v14 =	vimm.s32 $0x0;
	v15 =	vimm.f32 $0.0e+00;
	vm2 =	vlt.s32 v4, v13  }
0x6b: {  	v6 =	vld [tilespmem:s15+$0x1E0];
	v16 =	vand.u32 $0x7FFFFFFF, v8;
	v17 =	vand.u32 $0x7FFFFFFF, v5;
	v13 =	vnsel vm2, $0x0, v13  }
0x6c: {  	v7 =	vld [tilespmem:s15+$0x1C0];
	v18 =	vand.u32 $0x7FFFFFFF, v10;
	vm3 =	vlt.s32 v4, v16;
	v13 =	vadd.f32 v13, v15  }
0x6d: {  	v19 =	vand.u32 $0x7FFFFFFF, v11;
	v20 =	vand.u32 $0x7FFFFFFF, v12;
	v16 =	vnsel vm3, $0x0, v16  }
0x6e: {  	vm4 =	vlt.s32 v4, v18;
	vm0 =	vlt.s32 v4, v17;
	v13 =	vadd.f32 v16, v13  }
0x6f: {  	vm6 =	vlt.s32 v4, v20;
	vm5 =	vlt.s32 v4, v19;
	v18 =	vnsel vm4, $0x0, v18  }
0x70: {  	v20 =	vnsel vm6, $0x0, v20;
	v21 =	vmpcnt.ones.xlane vm3;
	v13 =	vadd.f32 v18, v13  }
0x71: {  	v15 =	vand.u32 $0x7FFFFFFF, v6;
	v16 =	vand.u32 $0x7FFFFFFF, v7;
	v18 =	vmpcnt.ones.xlane vm2  }
0x72: {  	vm1 =	vlt.s32 v4, v15;
	vm7 =	vlt.s32 v4, v16;
	v13 =	vadd.f32 v20, v13  }
0x73: {  	v16 =	vnsel vm7, $0x0, v16;
	v14 =	vadd.s32 v14, v18;
	v18 =	vmpcnt.ones.xlane vm4  }
0x74: {  	v20 =	vmpcnt.ones.xlane vm6;
	v14 =	vadd.s32 v21, v14;
	v13 =	vadd.f32 v16, v13  }
0x75: {  	v14 =	vadd.s32 v18, v14;
	v16 =	vmpcnt.ones.xlane vm7;
	v18 =	vnsel vm5, $0x0, v19  }
0x76: {  	v19 =	vmpcnt.ones.xlane vm5;
	v14 =	vadd.s32 v20, v14;
	v13 =	vadd.f32 v18, v13  }
0x77: {  	s26 =	sshll.u32 s29, $0x5;
	v15 =	vnsel vm1, $0x0, v15;
	v14 =	vadd.s32 v16, v14;
	v16 =	vmpcnt.ones.xlane vm1  }
0x78: {  	s25 =	simm.s32 $0x80;
	s7 =	sand.u32 $0x60, s26;
	v19 =	vadd.s32 v19, v14;
	v15 =	vadd.f32 v15, v13;
	v13 =	vmpcnt.ones.xlane vm0  }
0x79: {  	s4 =	sor.u32 s7, s4;
	s7 =	simm.s32 $0x400;
	v17 =	vnsel vm0, $0x0, v17;
	v18 =	vsel vm2, $0x3F800000, v0;
	v14 =	vld [tilespmem:s25+$0x1F0];
	v16 =	vadd.s32 v16, v19  }
.LBB2_7:
0x7a: {  	p1 =	sne.s32 s7, $0x3E00;
	[tilespmem:s15+$0x4180] =	vst v18;
	v18 =	vnsel vm2, $0x0, v9;
	v9 =	vld [tilespmem:s25+$0x180];
	v13 =	vadd.s32 v13, v16;
	v15 =	vadd.f32 v17, v15  }
0x7b: {  	v17 =	vsel vm3, $0x3F800000, v0;
	v19 =	vsel vm4, $0x3F800000, v0;
	v16 =	vld [tilespmem:s25+$0x1E0];
	[tilespmem:s15+$0x2180] =	vst v18;
	v18 =	vnsel vm3, $0x0, v8  }
0x7c: {  	v20 =	vsel vm6, $0x3F800000, v0;
	v21 =	vnsel vm6, $0x0, v12;
	v8 =	vld [tilespmem:s25+$0x190];
	[tilespmem:s15+$0x4190] =	vst v17;
	v17 =	vnsel vm4, $0x0, v10  }
0x7d: {  	v23 =	vnsel vm7, $0x0, v7;
	v24 =	vsel vm5, $0x3F800000, v0;
	v22 =	vld [tilespmem:s25+$0x1D0];
	[tilespmem:s15+$0x2190] =	vst v18;
	v18 =	vsel vm7, $0x3F800000, v0  }
0x7e: {  	v25 =	vsel vm1, $0x3F800000, v0;
	v26 =	vnsel vm1, $0x0, v6;
	v10 =	vld [tilespmem:s25+$0x1A0];
	[tilespmem:s15+$0x41A0] =	vst v19;
	v19 =	vnsel vm5, $0x0, v11  }
0x7f: {  	v27 =	vnsel vm0, $0x0, v5;
	v5 =	vmovc v14;
	v11 =	vand.u32 $0x7FFFFFFF, v9;
	v7 =	vld [tilespmem:s25+$0x1C0];
	[tilespmem:s15+$0x21A0] =	vst v17;
	v17 =	vsel vm0, $0x3F800000, v0  }
0x80: {  	vm2 =	vlt.s32 v4, v11;
	v12 =	vld [tilespmem:s25+$0x1B0];
	[tilespmem:s15+$0x41B0] =	vst v20;
	v6 =	vmov v16  }
0x81: {  	v20 =	vand.u32 $0x7FFFFFFF, v5;
	v28 =	vnsel vm2, $0x0, v11;
	v14 =	vand.u32 $0x7FFFFFFF, v8;
	[tilespmem:s15+$0x21B0] =	vst v21  }
0x82: {  	v16 =	vand.u32 $0x7FFFFFFF, v6;
	v15 =	vadd.f32 v28, v15;
	vm3 =	vlt.s32 v4, v14;
	[tilespmem:s15+$0x41C0] =	vst v18;
	v11 =	vmovc v22  }
0x83: {  	v14 =	vnsel vm3, $0x0, v14;
	v18 =	vand.u32 $0x7FFFFFFF, v10;
	v21 =	vand.u32 $0x7FFFFFFF, v11;
	[tilespmem:s15+$0x21C0] =	vst v23  }
0x84: {  	v14 =	vadd.f32 v14, v15;
	vm4 =	vlt.s32 v4, v18;
	v15 =	vand.u32 $0x7FFFFFFF, v7;
	[tilespmem:s15+$0x41D0] =	vst v24  }
0x85: {  	vm0 =	vlt.s32 v4, v20;
	v18 =	vnsel vm4, $0x0, v18;
	v22 =	vand.u32 $0x7FFFFFFF, v12;
	[tilespmem:s15+$0x21D0] =	vst v19  }
0x86: {  	vm1 =	vlt.s32 v4, v16;
	v14 =	vadd.f32 v18, v14;
	vm6 =	vlt.s32 v4, v22;
	[tilespmem:s15+$0x41E0] =	vst v25  }
0x87: {  	vm5 =	vlt.s32 v4, v21;
	v18 =	vmpcnt.ones.xlane vm2;
	v19 =	vnsel vm6, $0x0, v22;
	[tilespmem:s15+$0x21E0] =	vst v26  }
0x88: {  	vm7 =	vlt.s32 v4, v15;
	v22 =	vmpcnt.ones.xlane vm3;
	v14 =	vadd.f32 v19, v14;
	[tilespmem:s15+$0x41F0] =	vst v17  }
0x89: {  	v15 =	vnsel vm7, $0x0, v15;
	v13 =	vadd.s32 v13, v18;
	v17 =	vmpcnt.ones.xlane vm4;
	[tilespmem:s15+$0x21F0] =	vst v27;
	s15 =	smov.u32 s25  }
0x8a: {  	v18 =	vmpcnt.ones.xlane vm6;
	v13 =	vadd.s32 v22, v13;
	v14 =	vadd.f32 v15, v14  }
.Ltmp2:
0x8b: {  	v13 =	vadd.s32 v17, v13;
	v15 =	vmpcnt.ones.xlane vm7;
	v17 =	vnsel vm5, $0x0, v21;
	(pc) =	sbr.rel @p1 .LBB2_7-.Ltmp2, $4  }
0x8c: {  	v13 =	vadd.s32 v18, v13;
	v18 =	vmpcnt.ones.xlane vm5;
	v14 =	vadd.f32 v17, v14  }
0x8d: {  	v13 =	vadd.s32 v15, v13;
	v17 =	vmpcnt.ones.xlane vm1;
	v15 =	vnsel vm1, $0x0, v16  }
0x8e: {  	s25 =	sshra.s32 s7, $0x2;
	v16 =	vadd.s32 v18, v13;
	v13 =	vmpcnt.ones.xlane vm0;
	v15 =	vadd.f32 v15, v14  }
0x8f: {  	s7 =	sadd.s32 $0x200, s7;
	v18 =	vsel vm2, $0x3F800000, v0;
	v16 =	vadd.s32 v17, v16;
	v17 =	vnsel vm0, $0x0, v20;
	v14 =	vld [tilespmem:s25+$0x1F0]  }
0x90: {  	v19 =	vld [tilespmem:s25+$0x180];
	[tilespmem:s15+$0x4180] =	vst v18;
	v9 =	vnsel vm2, $0x0, v9  }
0x91: {  	v63 =	vsel vm3, $0x3F800000, v0;
	v18 =	vld [tilespmem:s25+$0x1E0];
	[tilespmem:s15+$0x2180] =	vst v9  }
0x92: {  	v8 =	vnsel vm3, $0x0, v8;
	v20 =	vld [tilespmem:s25+$0x190];
	[tilespmem:s15+$0x4190] =	vst v63  }
0x93: {  	v24 =	vsel vm4, $0x3F800000, v0;
	v9 =	vld [tilespmem:s25+$0x1D0];
	[tilespmem:s15+$0x2190] =	vst v8  }
0x94: {  	v25 =	vnsel vm4, $0x0, v10;
	v21 =	vld [tilespmem:s25+$0x1A0];
	[tilespmem:s15+$0x41A0] =	vst v24  }
0x95: {  	v27 =	vsel vm6, $0x3F800000, v0;
	v26 =	vld [tilespmem:s25+$0x1C0];
	[tilespmem:s15+$0x21A0] =	vst v25  }
0x96: {  	v12 =	vnsel vm6, $0x0, v12;
	v22 =	vld [tilespmem:s25+$0x1B0];
	[tilespmem:s15+$0x41B0] =	vst v27  }
0x97: {  	v28 =	vsel vm7, $0x3F800000, v0;
	[tilespmem:s15+$0x21B0] =	vst v12  }
0x98: {  	v7 =	vnsel vm7, $0x0, v7;
	[tilespmem:s15+$0x41C0] =	vst v28  }
0x99: {  	v29 =	vsel vm5, $0x3F800000, v0;
	[tilespmem:s15+$0x21C0] =	vst v7  }
0x9a: {  	v30 =	vnsel vm5, $0x0, v11;
	[tilespmem:s15+$0x41D0] =	vst v29  }
0x9b: {  	v31 =	vsel vm1, $0x3F800000, v0;
	[tilespmem:s15+$0x21D0] =	vst v30  }
0x9c: {  	v6 =	vnsel vm1, $0x0, v6;
	[tilespmem:s15+$0x41E0] =	vst v31  }
0x9d: {  	v33 =	vsel vm0, $0x3F800000, v0;
	v46 =	vand.u32 $0x7FFFFFFF, v14;
	[tilespmem:s15+$0x21E0] =	vst v6  }
0x9e: {  	v5 =	vnsel vm0, $0x0, v5;
	v32 =	vand.u32 $0x7FFFFFFF, v19;
	vm14 =	vlt.s32 v4, v46;
	[tilespmem:s15+$0x41F0] =	vst v33  }
0x9f: {  	vm0 =	vlt.s32 v4, v32;
	[tilespmem:s15+$0x21F0] =	vst v5;
	v48 =	vsel vm14, $0x3F800000, v0  }
0xa0: {  	v44 =	vand.u32 $0x7FFFFFFF, v18;
	v5 =	vsel vm0, $0x3F800000, v0;
	[tilespmem:s25+$0x41F0] =	vst v48  }
0xa1: {  	v34 =	vand.u32 $0x7FFFFFFF, v20;
	vm13 =	vlt.s32 v4, v44;
	[tilespmem:s25+$0x4180] =	vst v5;
	v5 =	vnsel vm0, $0x0, v19  }
0xa2: {  	vm15 =	vlt.s32 v4, v34;
	v47 =	vsel vm13, $0x3F800000, v0;
	[tilespmem:s25+$0x2180] =	vst v5  }
0xa3: {  	v42 =	vand.u32 $0x7FFFFFFF, v9;
	v5 =	vsel vm15, $0x3F800000, v0;
	[tilespmem:s25+$0x41E0] =	vst v47  }
0xa4: {  	v36 =	vnsel vm15, $0x0, v20;
	vm12 =	vlt.s32 v4, v42;
	[tilespmem:s25+$0x4190] =	vst v5  }
0xa5: {  	v35 =	vand.u32 $0x7FFFFFFF, v21;
	[tilespmem:s25+$0x2190] =	vst v36;
	v45 =	vsel vm12, $0x3F800000, v0  }
0xa6: {  	vm9 =	vlt.s32 v4, v35;
	v9 =	vnsel vm12, $0x0, v9;
	[tilespmem:s25+$0x41D0] =	vst v45  }
0xa7: {  	v39 =	vand.u32 $0x7FFFFFFF, v26;
	v37 =	vsel vm9, $0x3F800000, v0;
	[tilespmem:s25+$0x21D0] =	vst v9  }
0xa8: {  	v38 =	vnsel vm9, $0x0, v21;
	vm11 =	vlt.s32 v4, v39;
	[tilespmem:s25+$0x41A0] =	vst v37  }
0xa9: {  	[tilespmem:s25+$0x21A0] =	vst v38;
	v43 =	vsel vm11, $0x3F800000, v0  }
0xaa: {  	v5 =	vand.u32 $0x7FFFFFFF, v22;
	v10 =	vnsel vm11, $0x0, v26;
	[tilespmem:s25+$0x41C0] =	vst v43  }
0xab: {  	vm10 =	vlt.s32 v4, v5;
	v4 =	vnsel vm13, $0x0, v18;
	[tilespmem:s25+$0x21C0] =	vst v10  }
0xac: {  	v40 =	vsel vm10, $0x3F800000, v0;
	[tilespmem:s25+$0x21E0] =	vst v4  }
0xad: {  	v41 =	vnsel vm10, $0x0, v22;
	[tilespmem:s25+$0x41B0] =	vst v40  }
0xae: {  	p1 =	seq.s32 s29, $0x7F;
	v4 =	vnsel vm14, $0x0, v14;
	[tilespmem:s25+$0x21B0] =	vst v41  }
0xaf: {  	s7 =	sadd.s32 s2, s4;
	[tilespmem:s25+$0x21F0] =	vst v4;
	s25 =	sadd.s32 s3, s4;
	s4 =	sadd.s32 @!p1 $0x2, s30  }
0xb0: {  	[hbm4b:s7+s13] =	stream.strided.scatter [tilespmem:s18], [sflag:$0x3], $0x1000, s14, s13, $0x38;
	[tilespmem:$0x6300] =	vst v63  }
0xb1: {  	s7 =	sadd.s32 @!p1 s6, s4;
	s4 =	sshll.u32 @!p1 s4, $0x4  }
0xb2: {  	s7 =	sshll.u32 @!p1 s7, $0x9;
	s4 =	sand.u32 @!p1 $0x60, s4  }
0xb3: {  	[hbm4b:s25+s13] =	stream.strided.scatter [tilespmem:s19], [sflag:$0x3], $0x1000, s14, s13, $0x38;
	[tilespmem:$0x6300] =	vst v63  }
0xb4: {  	s8 =	simm.s32 @!p1 $0x400;
	s7 =	sand.u32 @!p1 $0xFFFF000, s7;
	s4 =	sadd.s32 @!p1 s1, s4  }
0xb5: {  	s9 =	simm.s32 @!p1 $0x180;
	s4 =	sadd.s32 @!p1 s7, s4;
	s7 =	simm.s32 @!p1 $0x80  }
0xb6: {  	[tilespmem:s9], [sflag:$0x1] =	stream.strided.gather @!p1 [hbm4b:s4+s7], $0x1000, s8, s7, $0x38;
	[tilespmem:$0x6300] =	vst v63  }
0xb7: {  	_ =	swait.ge [sflag:s20], $0x1000  }
0xb8: {  	[sflag:s20] =	ssyncset.done $0x0  }
0xb9: {  	[sflag:s20] =	ssyncadd.s32 $0xFFFFF000  }
0xba: {  	v4 =	vld [tilespmem:s30+$0x1];
	_ =	sdelay $0x1  }
0xbb: {  	v49 =	vadd.f32 v17, v15  }
0xbc: {  	v7 =	vnsel vm0, $0x0, v32  }
0xbd: {  	v7 =	vadd.f32 v7, v49  }
0xbe: {  	v50 =	vmpcnt.ones.xlane vm0;
	(v2sf) =	vpush v4, $0x0;
	v4 =	vnsel vm15, $0x0, v34  }
0xbf: {  	v51 =	vadd.s32 v13, v16;
	v52 =	vmpcnt.ones.xlane vm15;
	v4 =	vadd.f32 v4, v7  }
0xc0: {  	v6 =	vadd.s32 v51, v50;
	v8 =	vnsel vm9, $0x0, v35;
	v53 =	vmpcnt.ones.xlane vm9  }
0xc1: {  	v6 =	vadd.s32 v52, v6;
	v54 =	vmpcnt.ones.xlane vm10;
	v4 =	vadd.f32 v8, v4  }
0xc2: {  	v55 =	vmpcnt.ones.xlane vm11;
	v5 =	vnsel vm10, $0x0, v5;
	v6 =	vadd.s32 v53, v6  }
0xc3: {  	v56 =	vmpcnt.ones.xlane vm12;
	v4 =	vadd.f32 v5, v4;
	v5 =	vadd.s32 v54, v6  }
0xc4: {  	v58 =	vmpcnt.ones.xlane vm13;
	v57 =	vnsel vm11, $0x0, v39;
	v5 =	vadd.s32 v55, v5  }
0xc5: {  	v59 =	vmpcnt.ones.xlane vm14;
	v4 =	vadd.f32 v57, v4;
	v5 =	vadd.s32 v56, v5  }
0xc6: {  	v60 =	vnsel vm12, $0x0, v42;
	v5 =	vadd.s32 v58, v5  }
0xc7: {  	v4 =	vadd.f32 v60, v4;
	v5 =	vadd.s32 v59, v5  }
0xc8: {  	v61 =	vnsel vm13, $0x0, v44;
	v5 =	vcvt.s32.f32 v5  }
0xc9: {  	s26 =	sand.u32 $0xE, s30;
	v4 =	vadd.f32 v61, v4  }
0xca: {  	v63 =	vmov s26;
	v62 =	vnsel vm14, $0x0, v46;
	v5 =	vmul.f32 $2.441406250e-04, v5  }
0xcb: {  	vm15 =	veq.s32 v63, v1;
	v4 =	vadd.f32 v62, v4  }
0xcc: {  	s15 =	simm.s32 $0x0;
	v5 =	vnsel vm15, $0x0, v5  }
0xcd: {  	s25 =	simm.s32 $0x0;
	s7 =	simm.s32 $0x7F7FFFFF;
	s4 =	spop (v2sf);
	v3 =	vadd.f32 v5, v3;
	v2 =	vadd.f32 v4, v2  }
.LBB2_9:
0xce: {  	s9 =	simm.s32 $0x0  }
0xcf: {  	v5 =	vld [tilespmem:s9+$0x11F0]  }
0xd0: {  	v6 =	vld [tilespmem:s9+$0x11E0]  }
0xd1: {  	v7 =	vld [tilespmem:s9+$0x11D0]  }
0xd2: {  	v8 =	vld [tilespmem:s9+$0x11C0]  }
0xd3: {  	v9 =	vld [tilespmem:s9+$0x1180]  }
0xd4: {  	s8 =	ssub.s32 s7, s15;
	v10 =	vld [tilespmem:s9+$0x1190]  }
0xd5: {  	s8 =	sshra.s32 s8, $0x1;
	v12 =	vld [tilespmem:s9+$0x11A0]  }
0xd6: {  	v13 =	vld [tilespmem:s9+$0x11B0];
	s8 =	sadd.s32 s15, s8  }
0xd7: {  	v14 =	vimm.s32 $0x0;
	v4 =	vmov s8;
	v6 =	vand.u32 $0x7FFFFFFF, v6  }
0xd8: {  	v5 =	vand.u32 $0x7FFFFFFF, v5;
	v9 =	vand.u32 $0x7FFFFFFF, v9;
	v11 =	vand.u32 $0x7FFFFFFF, v7  }
0xd9: {  	s9 =	simm.s32 $0x80;
	v15 =	vand.u32 $0x7FFFFFFF, v8;
	vm0 =	vle.s32 v9, v4;
	v9 =	vand.u32 $0x7FFFFFFF, v10  }
0xda: {  	v7 =	vld [tilespmem:s9+$0x11F0];
	v10 =	vand.u32 $0x7FFFFFFF, v12;
	v8 =	vmpcnt.ones.xlane vm0;
	vm0 =	vle.s32 v9, v4  }
0xdb: {  	v13 =	vand.u32 $0x7FFFFFFF, v13;
	v9 =	vld [tilespmem:s9+$0x11E0];
	v16 =	vmpcnt.ones.xlane vm0;
	vm0 =	vle.s32 v10, v4  }
0xdc: {  	v10 =	vld [tilespmem:s9+$0x11D0];
	v14 =	vadd.s32 v14, v8;
	v12 =	vmpcnt.ones.xlane vm0;
	vm0 =	vle.s32 v13, v4  }
0xdd: {  	s10 =	simm.s32 $0x400;
	v8 =	vld [tilespmem:s9+$0x11C0];
	v14 =	vadd.s32 v16, v14;
	v13 =	vmpcnt.ones.xlane vm0;
	vm0 =	vle.s32 v15, v4  }
.LBB2_10:
0xde: {  	p1 =	sne.s32 s10, $0x3E00;
	v15 =	vld [tilespmem:s9+$0x1180];
	v12 =	vadd.s32 v12, v14;
	v14 =	vmpcnt.ones.xlane vm0;
	vm0 =	vle.s32 v11, v4  }
0xdf: {  	v16 =	vld [tilespmem:s9+$0x1190];
	v11 =	vadd.s32 v13, v12;
	v12 =	vmpcnt.ones.xlane vm0;
	vm0 =	vle.s32 v6, v4  }
0xe0: {  	v13 =	vld [tilespmem:s9+$0x11A0];
	v6 =	vadd.s32 v14, v11;
	v11 =	vmpcnt.ones.xlane vm0;
	vm0 =	vle.s32 v5, v4  }
0xe1: {  	v14 =	vld [tilespmem:s9+$0x11B0];
	v12 =	vadd.s32 v12, v6;
	v17 =	vmpcnt.ones.xlane vm0  }
0xe2: {  	v5 =	vand.u32 $0x7FFFFFFF, v7;
	v6 =	vand.u32 $0x7FFFFFFF, v9;
	v7 =	vadd.s32 v11, v12  }
0xe3: {  	v11 =	vand.u32 $0x7FFFFFFF, v10;
	v9 =	vand.u32 $0x7FFFFFFF, v15;
	v12 =	vadd.s32 v17, v7  }
.Ltmp3:
0xe4: {  	s9 =	sshra.s32 s10, $0x2;
	v15 =	vand.u32 $0x7FFFFFFF, v8;
	vm0 =	vle.s32 v9, v4;
	v9 =	vand.u32 $0x7FFFFFFF, v16;
	(pc) =	sbr.rel @p1 .LBB2_10-.Ltmp3, $4  }
0xe5: {  	v7 =	vld [tilespmem:s9+$0x11F0];
	v8 =	vmpcnt.ones.xlane vm0;
	vm0 =	vle.s32 v9, v4;
	v10 =	vand.u32 $0x7FFFFFFF, v13  }
0xe6: {  	v9 =	vld [tilespmem:s9+$0x11E0];
	v13 =	vmpcnt.ones.xlane vm0;
	vm0 =	vle.s32 v10, v4;
	v14 =	vand.u32 $0x7FFFFFFF, v14  }
0xe7: {  	v10 =	vld [tilespmem:s9+$0x11D0];
	v16 =	vadd.s32 v12, v8;
	v12 =	vmpcnt.ones.xlane vm0;
	vm0 =	vle.s32 v14, v4  }
0xe8: {  	s10 =	sadd.s32 $0x200, s10;
	v8 =	vld [tilespmem:s9+$0x11C0];
	v14 =	vadd.s32 v13, v16;
	v13 =	vmpcnt.ones.xlane vm0;
	vm0 =	vle.s32 v15, v4  }
0xe9: {  	v15 =	vld [tilespmem:s9+$0x1180];
	v12 =	vadd.s32 v12, v14;
	v51 =	vmpcnt.ones.xlane vm0  }
0xea: {  	vm5 =	vle.s32 v11, v4;
	v52 =	vld [tilespmem:s9+$0x1190];
	vm6 =	vle.s32 v6, v4;
	vm7 =	vle.s32 v5, v4  }
0xeb: {  	v54 =	vld [tilespmem:s9+$0x11A0];
	v12 =	vadd.s32 v13, v12;
	v53 =	vmpcnt.ones.xlane vm5;
	v55 =	vmpcnt.ones.xlane vm6  }
0xec: {  	v5 =	vld [tilespmem:s9+$0x11B0];
	v56 =	vmpcnt.ones.xlane vm7;
	v7 =	vand.u32 $0x7FFFFFFF, v7;
	v12 =	vadd.s32 v51, v12  }
0xed: {  	v9 =	vand.u32 $0x7FFFFFFF, v9;
	v12 =	vadd.s32 v53, v12;
	v10 =	vand.u32 $0x7FFFFFFF, v10  }
0xee: {  	v12 =	vadd.s32 v55, v12;
	v8 =	vand.u32 $0x7FFFFFFF, v8;
	v57 =	vand.u32 $0x7FFFFFFF, v15  }
0xef: {  	v12 =	vadd.s32 v56, v12;
	v11 =	vand.u32 $0x7FFFFFFF, v52;
	vm8 =	vle.s32 v57, v4  }
0xf0: {  	v6 =	vand.u32 $0x7FFFFFFF, v54;
	vm9 =	vle.s32 v11, v4;
	v58 =	vmpcnt.ones.xlane vm8  }
0xf1: {  	v5 =	vand.u32 $0x7FFFFFFF, v5;
	vm10 =	vle.s32 v6, v4;
	v11 =	vmpcnt.ones.xlane vm9  }
0xf2: {  	vm11 =	vle.s32 v5, v4;
	v60 =	vmpcnt.ones.xlane vm10;
	v59 =	vadd.s32 v12, v58  }
0xf3: {  	vm12 =	vle.s32 v8, v4;
	v61 =	vmpcnt.ones.xlane vm11;
	v5 =	vadd.s32 v11, v59  }
0xf4: {  	vm13 =	vle.s32 v10, v4;
	v8 =	vmpcnt.ones.xlane vm12;
	v5 =	vadd.s32 v60, v5  }
0xf5: {  	vm14 =	vle.s32 v9, v4;
	v62 =	vmpcnt.ones.xlane vm13;
	v5 =	vadd.s32 v61, v5  }
0xf6: {  	vm15 =	vle.s32 v7, v4;
	v63 =	vmpcnt.ones.xlane vm14;
	v5 =	vadd.s32 v8, v5  }
0xf7: {  	v4 =	vadd.s32 v62, v5;
	v5 =	vmpcnt.ones.xlane vm15  }
0xf8: {  	v4 =	vadd.s32 v63, v4  }
0xf9: {  	v4 =	vadd.s32 v5, v4  }
0xfa: {  	(v2sf) =	vpush v4, $0x0;
	_ =	sdelay $0xb  }
0xfb: {  	s25 =	sadd.s32 $0x1, s25  }
0xfc: {  	p2 =	sne.s32 s25, $0x1F  }
.Ltmp4:
0xfd: {  	_ = 	snop;
	(pc) =	sbr.rel @p2 .LBB2_9-.Ltmp4, $4  }
0xfe: {  	s26 =	spop (v2sf)  }
0xff: {  	p1 =	slt.s32 s26, s4  }
0x100: {  	s9 =	sadd.s32 $0x1, s8;
	s8 =	smov.u32 @p1 s7  }
0x101: {  	s15 =	smov.u32 @p1 s9;
	s7 =	smov.u32 s8  }
0x102: {  	s4 =	simm.s32 @!p0 $0x4  }
0x103: {  	_ =	swait.ge @!p0 [sflag:s4], $0x1000  }
0x104: {  	[sflag:s4] =	ssyncset.done @!p0 $0x0  }
0x105: {  	[sflag:s4] =	ssyncadd.s32 @!p0 $0xFFFFF000  }
0x106: {  	_ =	swait.ge @!p0 [sflag:s4], $0x1000  }
0x107: {  	[sflag:s4] =	ssyncset.done @!p0 $0x0  }
0x108: {  	[sflag:s4] =	ssyncadd.s32 @!p0 $0xFFFFF000;
	s4 =	simm.s32 $0x0  }
0x109: {  	v5 =	vld [tilespmem:s4+$0x11F0]  }
0x10a: {  	v9 =	vld [tilespmem:s4+$0x1180]  }
0x10b: {  	v8 =	vld [tilespmem:s4+$0x1190]  }
0x10c: {  	v10 =	vld [tilespmem:s4+$0x11D0]  }
0x10d: {  	v11 =	vld [tilespmem:s4+$0x11A0]  }
0x10e: {  	v12 =	vld [tilespmem:s4+$0x11B0]  }
0x10f: {  	v4 =	vmov s15;
	v13 =	vand.u32 $0x7FFFFFFF, v9  }
0x110: {  	v14 =	vimm.s32 $0x0;
	v15 =	vimm.f32 $0.0e+00;
	vm2 =	vlt.s32 v4, v13  }
0x111: {  	v6 =	vld [tilespmem:s4+$0x11E0];
	v16 =	vand.u32 $0x7FFFFFFF, v8;
	v17 =	vand.u32 $0x7FFFFFFF, v5;
	v13 =	vnsel vm2, $0x0, v13  }
0x112: {  	v7 =	vld [tilespmem:s4+$0x11C0];
	v18 =	vand.u32 $0x7FFFFFFF, v11;
	vm3 =	vlt.s32 v4, v16;
	v13 =	vadd.f32 v13, v15  }
0x113: {  	v19 =	vand.u32 $0x7FFFFFFF, v10;
	v20 =	vand.u32 $0x7FFFFFFF, v12;
	v16 =	vnsel vm3, $0x0, v16  }
0x114: {  	vm4 =	vlt.s32 v4, v18;
	vm0 =	vlt.s32 v4, v17;
	v13 =	vadd.f32 v16, v13  }
0x115: {  	vm6 =	vlt.s32 v4, v20;
	vm5 =	vlt.s32 v4, v19;
	v18 =	vnsel vm4, $0x0, v18  }
0x116: {  	v20 =	vnsel vm6, $0x0, v20;
	v21 =	vmpcnt.ones.xlane vm3;
	v13 =	vadd.f32 v18, v13  }
0x117: {  	v15 =	vand.u32 $0x7FFFFFFF, v6;
	v16 =	vand.u32 $0x7FFFFFFF, v7;
	v18 =	vmpcnt.ones.xlane vm2  }
0x118: {  	vm1 =	vlt.s32 v4, v15;
	vm7 =	vlt.s32 v4, v16;
	v13 =	vadd.f32 v20, v13  }
0x119: {  	v16 =	vnsel vm7, $0x0, v16;
	v14 =	vadd.s32 v14, v18;
	v18 =	vmpcnt.ones.xlane vm4  }
0x11a: {  	v20 =	vmpcnt.ones.xlane vm6;
	v14 =	vadd.s32 v21, v14;
	v13 =	vadd.f32 v16, v13  }
0x11b: {  	v14 =	vadd.s32 v18, v14;
	v16 =	vmpcnt.ones.xlane vm7;
	v18 =	vnsel vm5, $0x0, v19  }
0x11c: {  	v19 =	vmpcnt.ones.xlane vm5;
	v14 =	vadd.s32 v20, v14;
	v13 =	vadd.f32 v18, v13  }
0x11d: {  	v15 =	vnsel vm1, $0x0, v15;
	v14 =	vadd.s32 v16, v14;
	v16 =	vmpcnt.ones.xlane vm1  }
0x11e: {  	s15 =	simm.s32 $0x80;
	v19 =	vadd.s32 v19, v14;
	v14 =	vadd.f32 v15, v13;
	v15 =	vmpcnt.ones.xlane vm0  }
0x11f: {  	s7 =	simm.s32 $0x400;
	v17 =	vnsel vm0, $0x0, v17;
	v18 =	vsel vm2, $0x3F800000, v0;
	v13 =	vld [tilespmem:s15+$0x11F0];
	v16 =	vadd.s32 v16, v19  }
.LBB2_13:
0x120: {  	p0 =	sne.s32 s7, $0x3E00;
	[tilespmem:s4+$0x5180] =	vst v18;
	v18 =	vnsel vm2, $0x0, v9;
	v9 =	vld [tilespmem:s15+$0x1180];
	v15 =	vadd.s32 v15, v16;
	v14 =	vadd.f32 v17, v14  }
0x121: {  	v17 =	vsel vm3, $0x3F800000, v0;
	v19 =	vsel vm4, $0x3F800000, v0;
	v16 =	vld [tilespmem:s15+$0x11E0];
	[tilespmem:s4+$0x3180] =	vst v18;
	v18 =	vnsel vm3, $0x0, v8  }
0x122: {  	v20 =	vsel vm6, $0x3F800000, v0;
	v21 =	vnsel vm6, $0x0, v12;
	v8 =	vld [tilespmem:s15+$0x1190];
	[tilespmem:s4+$0x5190] =	vst v17;
	v17 =	vnsel vm4, $0x0, v11  }
0x123: {  	v23 =	vnsel vm7, $0x0, v7;
	v24 =	vsel vm5, $0x3F800000, v0;
	v22 =	vld [tilespmem:s15+$0x11D0];
	[tilespmem:s4+$0x3190] =	vst v18;
	v18 =	vsel vm7, $0x3F800000, v0  }
0x124: {  	v25 =	vsel vm1, $0x3F800000, v0;
	v26 =	vnsel vm1, $0x0, v6;
	v11 =	vld [tilespmem:s15+$0x11A0];
	[tilespmem:s4+$0x51A0] =	vst v19;
	v19 =	vnsel vm5, $0x0, v10  }
0x125: {  	v27 =	vnsel vm0, $0x0, v5;
	v5 =	vmovc v13;
	v10 =	vand.u32 $0x7FFFFFFF, v9;
	v7 =	vld [tilespmem:s15+$0x11C0];
	[tilespmem:s4+$0x31A0] =	vst v17;
	v17 =	vsel vm0, $0x3F800000, v0  }
0x126: {  	vm2 =	vlt.s32 v4, v10;
	v12 =	vld [tilespmem:s15+$0x11B0];
	[tilespmem:s4+$0x51B0] =	vst v20;
	v6 =	vmov v16  }
0x127: {  	v20 =	vand.u32 $0x7FFFFFFF, v5;
	v28 =	vnsel vm2, $0x0, v10;
	v13 =	vand.u32 $0x7FFFFFFF, v8;
	[tilespmem:s4+$0x31B0] =	vst v21  }
0x128: {  	v16 =	vand.u32 $0x7FFFFFFF, v6;
	v14 =	vadd.f32 v28, v14;
	vm3 =	vlt.s32 v4, v13;
	[tilespmem:s4+$0x51C0] =	vst v18;
	v10 =	vmovc v22  }
0x129: {  	v13 =	vnsel vm3, $0x0, v13;
	v18 =	vand.u32 $0x7FFFFFFF, v11;
	v21 =	vand.u32 $0x7FFFFFFF, v10;
	[tilespmem:s4+$0x31C0] =	vst v23  }
0x12a: {  	v13 =	vadd.f32 v13, v14;
	vm4 =	vlt.s32 v4, v18;
	v14 =	vand.u32 $0x7FFFFFFF, v7;
	[tilespmem:s4+$0x51D0] =	vst v24  }
0x12b: {  	vm0 =	vlt.s32 v4, v20;
	v18 =	vnsel vm4, $0x0, v18;
	v22 =	vand.u32 $0x7FFFFFFF, v12;
	[tilespmem:s4+$0x31D0] =	vst v19  }
0x12c: {  	vm1 =	vlt.s32 v4, v16;
	v13 =	vadd.f32 v18, v13;
	vm6 =	vlt.s32 v4, v22;
	[tilespmem:s4+$0x51E0] =	vst v25  }
0x12d: {  	vm5 =	vlt.s32 v4, v21;
	v18 =	vmpcnt.ones.xlane vm2;
	v19 =	vnsel vm6, $0x0, v22;
	[tilespmem:s4+$0x31E0] =	vst v26  }
0x12e: {  	vm7 =	vlt.s32 v4, v14;
	v22 =	vmpcnt.ones.xlane vm3;
	v13 =	vadd.f32 v19, v13;
	[tilespmem:s4+$0x51F0] =	vst v17  }
0x12f: {  	v14 =	vnsel vm7, $0x0, v14;
	v15 =	vadd.s32 v15, v18;
	v17 =	vmpcnt.ones.xlane vm4;
	[tilespmem:s4+$0x31F0] =	vst v27;
	s4 =	smov.u32 s15  }
0x130: {  	v18 =	vmpcnt.ones.xlane vm6;
	v15 =	vadd.s32 v22, v15;
	v13 =	vadd.f32 v14, v13  }
.Ltmp5:
0x131: {  	v14 =	vadd.s32 v17, v15;
	v15 =	vmpcnt.ones.xlane vm7;
	v17 =	vnsel vm5, $0x0, v21;
	(pc) =	sbr.rel @p0 .LBB2_13-.Ltmp5, $4  }
0x132: {  	v14 =	vadd.s32 v18, v14;
	v18 =	vmpcnt.ones.xlane vm5;
	v13 =	vadd.f32 v17, v13  }
0x133: {  	v14 =	vadd.s32 v15, v14;
	v17 =	vmpcnt.ones.xlane vm1;
	v15 =	vnsel vm1, $0x0, v16  }
0x134: {  	s15 =	sshra.s32 s7, $0x2;
	v16 =	vadd.s32 v18, v14;
	v14 =	vadd.f32 v15, v13;
	v15 =	vmpcnt.ones.xlane vm0  }
0x135: {  	s7 =	sadd.s32 $0x200, s7;
	v18 =	vsel vm2, $0x3F800000, v0;
	v16 =	vadd.s32 v17, v16;
	v17 =	vnsel vm0, $0x0, v20;
	v13 =	vld [tilespmem:s15+$0x11F0]  }
0x136: {  	v19 =	vld [tilespmem:s15+$0x1180];
	[tilespmem:s4+$0x5180] =	vst v18;
	v9 =	vnsel vm2, $0x0, v9  }
0x137: {  	v27 =	vsel vm3, $0x3F800000, v0;
	v18 =	vld [tilespmem:s15+$0x11E0];
	[tilespmem:s4+$0x3180] =	vst v9  }
0x138: {  	v8 =	vnsel vm3, $0x0, v8;
	v20 =	vld [tilespmem:s15+$0x1190];
	[tilespmem:s4+$0x5190] =	vst v27  }
0x139: {  	v28 =	vsel vm4, $0x3F800000, v0;
	v9 =	vld [tilespmem:s15+$0x11D0];
	[tilespmem:s4+$0x3190] =	vst v8  }
0x13a: {  	v29 =	vnsel vm4, $0x0, v11;
	v21 =	vld [tilespmem:s15+$0x11A0];
	[tilespmem:s4+$0x51A0] =	vst v28  }
0x13b: {  	v31 =	vsel vm6, $0x3F800000, v0;
	v30 =	vld [tilespmem:s15+$0x11C0];
	[tilespmem:s4+$0x31A0] =	vst v29  }
0x13c: {  	v12 =	vnsel vm6, $0x0, v12;
	v22 =	vld [tilespmem:s15+$0x11B0];
	[tilespmem:s4+$0x51B0] =	vst v31  }
0x13d: {  	v32 =	vsel vm7, $0x3F800000, v0;
	[tilespmem:s4+$0x31B0] =	vst v12  }
0x13e: {  	v7 =	vnsel vm7, $0x0, v7;
	[tilespmem:s4+$0x51C0] =	vst v32  }
0x13f: {  	v33 =	vadd.s32 v15, v16;
	v14 =	vadd.f32 v17, v14;
	v34 =	vsel vm5, $0x3F800000, v0;
	[tilespmem:s4+$0x31C0] =	vst v7  }
0x140: {  	v10 =	vnsel vm5, $0x0, v10;
	v36 =	vsel vm1, $0x3F800000, v0;
	v6 =	vnsel vm1, $0x0, v6;
	[tilespmem:s4+$0x51D0] =	vst v34  }
0x141: {  	v37 =	vsel vm0, $0x3F800000, v0;
	v40 =	vand.u32 $0x7FFFFFFF, v13;
	v35 =	vand.u32 $0x7FFFFFFF, v19;
	[tilespmem:s4+$0x31D0] =	vst v10  }
0x142: {  	v5 =	vnsel vm0, $0x0, v5;
	vm10 =	vlt.s32 v4, v40;
	vm15 =	vlt.s32 v4, v35;
	[tilespmem:s4+$0x51E0] =	vst v36  }
0x143: {  	v41 =	vand.u32 $0x7FFFFFFF, v18;
	[tilespmem:s4+$0x31E0] =	vst v6;
	v60 =	vnsel vm10, $0x0, v13;
	v15 =	vnsel vm15, $0x0, v35  }
0x144: {  	[tilespmem:s4+$0x31F0] =	vst v5;
	v38 =	vand.u32 $0x7FFFFFFF, v20;
	v5 =	vsel vm15, $0x3F800000, v0;
	vm12 =	vlt.s32 v4, v41  }
0x145: {  	[tilespmem:s4+$0x51F0] =	vst v37;
	v39 =	vadd.f32 v15, v14;
	vm8 =	vlt.s32 v4, v38;
	v44 =	vand.u32 $0x7FFFFFFF, v9  }
0x146: {  	[tilespmem:s15+$0x5180] =	vst v5;
	v5 =	vnsel vm15, $0x0, v19;
	v56 =	vmpcnt.ones.xlane vm12;
	v57 =	vsel vm12, $0x3F800000, v0  }
0x147: {  	v58 =	vnsel vm12, $0x0, v18;
	v42 =	vnsel vm8, $0x0, v38;
	v43 =	vand.u32 $0x7FFFFFFF, v21  }
0x148: {  	[tilespmem:s15+$0x3180] =	vst v5;
	v5 =	vsel vm8, $0x3F800000, v0;
	v47 =	vnsel vm8, $0x0, v20;
	vm13 =	vlt.s32 v4, v44  }
0x149: {  	v49 =	vmpcnt.ones.xlane vm8;
	v10 =	vadd.f32 v42, v39;
	vm9 =	vlt.s32 v4, v43  }
0x14a: {  	v45 =	vand.u32 $0x7FFFFFFF, v30;
	[tilespmem:s15+$0x5190] =	vst v5;
	v5 =	vmpcnt.ones.xlane vm15;
	v46 =	vand.u32 $0x7FFFFFFF, v22  }
0x14b: {  	[tilespmem:s15+$0x31F0] =	vst v60;
	v55 =	vsel vm13, $0x3F800000, v0;
	vm14 =	vlt.s32 v4, v45;
	vm11 =	vlt.s32 v4, v46  }
0x14c: {  	[tilespmem:s15+$0x51E0] =	vst v57;
	v51 =	vmpcnt.ones.xlane vm9;
	v5 =	vadd.s32 v33, v5;
	v4 =	vsel vm11, $0x3F800000, v0  }
0x14d: {  	v9 =	vnsel vm13, $0x0, v9;
	[tilespmem:s15+$0x51B0] =	vst v4;
	v4 =	vadd.s32 v49, v5;
	v5 =	vmpcnt.ones.xlane vm11  }
0x14e: {  	[tilespmem:s15+$0x31E0] =	vst v58;
	v6 =	vnsel vm9, $0x0, v43;
	v54 =	vmpcnt.ones.xlane vm14;
	v4 =	vadd.s32 v51, v4  }
0x14f: {  	[tilespmem:s15+$0x3190] =	vst v47;
	v6 =	vadd.f32 v6, v10;
	v4 =	vadd.s32 v5, v4;
	v5 =	vmpcnt.ones.xlane vm13  }
0x150: {  	v48 =	vsel vm9, $0x3F800000, v0;
	[tilespmem:s15+$0x51D0] =	vst v55;
	v15 =	vnsel vm11, $0x0, v46;
	v4 =	vadd.s32 v54, v4  }
0x151: {  	[tilespmem:s15+$0x31D0] =	vst v9;
	v6 =	vadd.f32 v15, v6;
	v4 =	vadd.s32 v5, v4;
	v5 =	vmpcnt.ones.xlane vm10  }
0x152: {  	v50 =	vnsel vm9, $0x0, v21;
	[tilespmem:s15+$0x51A0] =	vst v48;
	v8 =	vnsel vm14, $0x0, v45;
	v4 =	vadd.s32 v56, v4  }
0x153: {  	[tilespmem:s15+$0x31A0] =	vst v50;
	v53 =	vsel vm14, $0x3F800000, v0;
	v6 =	vadd.f32 v8, v6;
	v4 =	vadd.s32 v5, v4  }
0x154: {  	s7 =	sand.u32 $0xF, s31;
	v59 =	vnsel vm13, $0x0, v44;
	[tilespmem:s15+$0x51C0] =	vst v53;
	v5 =	vsel vm10, $0x3F800000, v0;
	v4 =	vcvt.s32.f32 v4  }
0x155: {  	s29 =	sadd.s32 $0x1, s29;
	v62 =	vmov s7;
	v11 =	vnsel vm14, $0x0, v30;
	[tilespmem:s15+$0x51F0] =	vst v5;
	v5 =	vadd.f32 v59, v6  }
0x156: {  	p1 =	sne.s32 s29, $0x80;
	v61 =	vnsel vm12, $0x0, v41;
	v52 =	vnsel vm11, $0x0, v22;
	[tilespmem:s15+$0x31C0] =	vst v11;
	v4 =	vmul.f32 $2.441406250e-04, v4  }
.Ltmp6:
0x157: {  	s26 =	sadd.s32 s2, s0;
	vm15 =	veq.s32 v62, v1;
	[tilespmem:s15+$0x31B0] =	vst v52;
	v5 =	vadd.f32 v61, v5;
	(pc) =	sbr.rel @p1 .LBB2_2-.Ltmp6, $4  }
0x158: {  	v63 =	vnsel vm10, $0x0, v40;
	[hbm4b:s26+s13] =	stream.strided.scatter [tilespmem:s21], [sflag:$0x4], $0x1000, s14, s13, $0x38;
	v4 =	vnsel vm15, $0x0, v4;
	[tilespmem:$0x6300] =	vst v63  }
0x159: {  	s31 =	sadd.s32 s3, s0;
	p0 =	sne.s32 s7, $0xF;
	v5 =	vadd.f32 v63, v5;
	v3 =	vadd.f32 v4, v3  }
0x15a: {  	[hbm4b:s31+s13] =	stream.strided.scatter [tilespmem:s22], [sflag:$0x4], $0x1000, s14, s13, $0x38;
	[tilespmem:$0x6300] =	vst v63  }
0x15b: {  	v2 =	vadd.f32 v5, v2;
	[tilespmem:s30+$0x6172] =	vst @!p0 v3;
	v3 =	vpsel !p0, $0x0, v3  }
0x15c: {  	_ =	swait.ge [sflag:s23], $0x1000  }
0x15d: {  	[sflag:s23] =	ssyncset.done $0x0  }
0x15e: {  	[sflag:s23] =	ssyncadd.s32 $0xFFFFF000  }
0x15f: {  	_ =	swait.ge [sflag:s23], $0x1000  }
0x160: {  	[sflag:s23] =	ssyncset.done $0x0  }
0x161: {  	[sflag:s23] =	ssyncadd.s32 $0xFFFFF000  }
0x162: {  	_ =	swait.ge [sflag:s24], $0x1000  }
0x163: {  	[sflag:s24] =	ssyncset.done $0x0  }
0x164: {  	[sflag:s24] =	ssyncadd.s32 $0xFFFFF000  }
0x165: {  	_ =	swait.ge [sflag:s24], $0x1000  }
0x166: {  	[sflag:s24] =	ssyncset.done $0x0  }
0x167: {  	[sflag:s24] =	ssyncadd.s32 $0xFFFFF000  }
0x168: {  	s4 =	simm.s32 $0x6280;
	s0 =	rddreg [dreg:$0x8];
	[tilespmem:$0x6280] =	vst v2  }
0x169: {  	[hbm4b:s0+s5] =	stream.linear.scatter [tilespmem:s4], [sflag:$0x5], $0x10, $0x38;
	[tilespmem:$0x6300] =	vst v63  }
0x16a: {  	s28 =	sadd.s32 $0x1, s28;
	_ =	swait.ge [sflag:s12], $0x10  }
0x16b: {  	s31 =	simm.s32 $0x6180;
	p0 =	sne.s32 s28, s11;
	[sflag:s12] =	ssyncset.done $0x0  }
.Ltmp7:
0x16c: {  	s30 =	rddreg [dreg:$0x9];
	[sflag:s12] =	ssyncadd.s32 $0xFFFFFFF0;
	(pc) =	sbr.rel @p0 .LBB2_1-.Ltmp7, $4  }
0x16d: {  	[hbm4b:s30+s5] =	stream.linear.scatter [tilespmem:s31], [sflag:$0x5], $0x100, $0x38;
	[tilespmem:$0x6300] =	vst v63  }
0x16e: {  	_ =	swait.ge [sflag:s12], $0x100  }
0x16f: {  	[sflag:s12] =	ssyncset.done $0x0  }
0x170: {  	[sflag:s12] =	ssyncadd.s32 $0xFFFFFF00  }
0x171: {  	_ =	sfence.sel $0x180000  }
0x172: {  	[bflag:$0x0] =	sbarrier.arrive $0xFFFF  }
0x173: {  	_ =	strace $0x90000047  }
0x174: {  	s0 =	stileid.u32;
	[bflag:$0x2] =	sbarrier.arrive $0xFFFF  }
0x175: {  	p0 =	sne.s32 s0, $0x0;
	s0 =	rddreg [dreg:$0x5]  }
0x176: {  	s0 =	sadd.s32 @!p0 $0x100000, s0  }
0x177: {  	[sflag:s0] =	ssyncadd.tile.s32 @!p0 $0x1;
	_ =	shalt  }
.Lfunc_end2:
_tile_overlayer_lowered:
.L_overlay_start_2:
0x178: {  	(tag) =	ssettag $0x2  }
0x179: {  	s0 =	rddreg [dreg:$0x0];
	s2 =	stileid.u32  }
0x17a: {  	s1 =	rddreg [dreg:$0x1];
	p0 =	sne.s32 s2, $0x0  }
0x17b: {  	s3 =	rddreg [dreg:$0x2];
	[bflag:$0x3] =	sbarrier.arrive $0xFFFF;
	s2 =	simm.s32 @!p0 $0x1C05  }
0x17c: {  	[timem:s3], [sflag:s2] =	dma.local @!p0 [hbm:s0], s1  }
0x17d: {  	s0 =	simm.s32 @!p0 $0x5  }
0x17e: {  	_ =	swait.ge @!p0 [sflag:s0], s1  }
0x17f: {  	s1 =	ssub.s32 @!p0 $0x0, s1;
	[sflag:s0] =	ssyncset.done @!p0 $0x0  }
0x180: {  	[sflag:s0] =	ssyncadd.s32 @!p0 s1  }
0x181: {  	[bflag:$0x3] =	sbarrier.arrive $0xFFFF  }
0x182: {  	_ =	shalt  }

</sc_bundles>
